<compile_context>
chip_gen: v7x
topology: tpu7x:2x2x1
jax: 0.10.2.dev20260603
libtpu: 0.0.44.dev20260713+nightly
codegen_flags: <defaults>
</compile_context>

<pallas_src>
import functools

import jax
import jax.numpy as jnp
from jax import lax
from jax.experimental import pallas as pl
from jax.experimental.pallas import tpu as pltpu
from jax.experimental.pallas import tpu_sc as plsc

BATCH = 16384
DIM = 64
NC = 2
NS = 16
NW = NC * NS
CHUNK = 128

N_SLICES = 2
SLICE = BATCH // N_SLICES
MLP_BLOCK = 2048


def _sc_gather_pair(batch):
    b_per_w = batch // NW
    n_chunks = b_per_w // CHUNK
    mesh = plsc.VectorSubcoreMesh(core_axis_name="c", subcore_axis_name="s")

    @functools.partial(
        pl.kernel,
        mesh=mesh,
        out_type=[
            jax.ShapeDtypeStruct((batch, 2 * DIM), jnp.float32),
            jax.ShapeDtypeStruct((batch, 2 * DIM), jnp.float32),
        ],
        scratch_types=[
            pltpu.VMEM((b_per_w,), jnp.int32),
            pltpu.VMEM((b_per_w,), jnp.int32),
            pltpu.VMEM((b_per_w, 2 * DIM), jnp.float32),
            pltpu.SemaphoreType.DMA,
        ],
    )
    def gather_k(uidx_hbm, iidx_hbm, ctab_hbm, uout_hbm, vout_hbm,
                 uidx_v, iidx_v, rows_v, sem):
        wid = lax.axis_index("s") * NC + lax.axis_index("c")
        base = wid * b_per_w
        pltpu.sync_copy(uidx_hbm.at[pl.ds(base, b_per_w)], uidx_v)
        pltpu.sync_copy(iidx_hbm.at[pl.ds(base, b_per_w)], iidx_v)
        for idx_v, out_hbm in ((uidx_v, uout_hbm), (iidx_v, vout_hbm)):
            copies = []
            for j in range(n_chunks):
                sl = pl.ds(j * CHUNK, CHUNK)
                copies.append(pltpu.async_copy(
                    ctab_hbm.at[idx_v.at[sl]], rows_v.at[sl], sem))
            for c in copies:
                c.wait()
            pltpu.sync_copy(rows_v, out_hbm.at[pl.ds(base, b_per_w)])

    return gather_k


def _ln(x, g, b):
    m = jnp.mean(x, axis=-1, keepdims=True)
    v = jnp.mean((x - m) ** 2, axis=-1, keepdims=True)
    return (x - m) / jnp.sqrt(v + 1e-5) * g + b


def _dot(a, b):
    return jnp.dot(a, b, preferred_element_type=jnp.float32)


def _mlp_body(u_ref, v_ref, w0_ref, b0_ref, g0_ref, be0_ref,
              w1_ref, b1_ref, g1_ref, be1_ref,
              w2_ref, b2_ref, g2_ref, be2_ref,
              wl_ref, bl_ref, o_ref):
    x = jnp.concatenate([u_ref[:, :DIM], v_ref[:, DIM:]], axis=-1)
    x = _dot(x, w0_ref[...]) + b0_ref[...]
    x = jax.nn.relu(_ln(x, g0_ref[...], be0_ref[...]))
    x = _dot(x, w1_ref[...]) + b1_ref[...]
    x = jax.nn.relu(_ln(x, g1_ref[...], be1_ref[...]))
    x = _dot(x, w2_ref[...]) + b2_ref[...]
    x = jax.nn.relu(_ln(x, g2_ref[...], be2_ref[...]))
    o_ref[...] = (_dot(x, wl_ref[...]) + bl_ref[0, 0]).reshape(o_ref.shape)


def _mlp_call(u, v, W0, b0, g0, be0, W1, b1, g1, be1,
              W2, b2, g2, be2, Wl, bl, interpret=False):
    batch = u.shape[0]
    nb = batch // MLP_BLOCK
    full = lambda shape: pl.BlockSpec(shape, lambda i: (0, 0))
    return pl.pallas_call(
        _mlp_body,
        grid=(nb,),
        in_specs=[
            pl.BlockSpec((MLP_BLOCK, 2 * DIM), lambda i: (i, 0)),
            pl.BlockSpec((MLP_BLOCK, 2 * DIM), lambda i: (i, 0)),
            full((128, 256)), full((1, 256)), full((1, 256)), full((1, 256)),
            full((256, 128)), full((1, 128)), full((1, 128)), full((1, 128)),
            full((128, 64)), full((1, 64)), full((1, 64)), full((1, 64)),
            full((64, 1)), full((1, 1)),
        ],
        out_specs=pl.BlockSpec((MLP_BLOCK,), lambda i: (i,)),
        out_shape=jax.ShapeDtypeStruct((batch,), jnp.float32),
        compiler_params=pltpu.CompilerParams(
            dimension_semantics=("arbitrary",)),
        interpret=interpret,
    )(u, v, W0, b0.reshape(1, -1), g0.reshape(1, -1), be0.reshape(1, -1),
      W1, b1.reshape(1, -1), g1.reshape(1, -1), be1.reshape(1, -1),
      W2, b2.reshape(1, -1), g2.reshape(1, -1), be2.reshape(1, -1),
      Wl, bl.reshape(1, 1))


def kernel(user_idx, item_idx, user_table, item_table,
           W0, b0, g0, be0, W1, b1, g1, be1, W2, b2, g2, be2, Wl, bl):
    ctab = jnp.concatenate([user_table, item_table], axis=1)
    gather = _sc_gather_pair(SLICE)
    outs = []
    for s in range(N_SLICES):
        sl = slice(s * SLICE, (s + 1) * SLICE)
        u, v = gather(user_idx[sl], item_idx[sl], ctab)
        outs.append(_mlp_call(u, v, W0, b0, g0, be0, W1, b1, g1, be1,
                              W2, b2, g2, be2, Wl, bl))
    return jnp.concatenate(outs)

# --- scband reference (transcript-rebuilt; emitter-appended) ---
"""Pipeline reference for scband-module-21062519619789 (READ-ONLY COPY).

The authoritative reference and input builder live on the scoring server;
editing this copy changes nothing except your own understanding.
"""

import jax, jax.numpy as jnp
import numpy as np

N_USERS = 100000
N_ITEMS = 100000
N_FACTORS = 64
HIDDEN = [128, 256, 128, 64]
BATCH = 16384


def _layernorm(x, g, b, eps=1e-5):
    m = jnp.mean(x, axis=-1, keepdims=True)
    v = jnp.mean((x - m) ** 2, axis=-1, keepdims=True)
    return (x - m) / jnp.sqrt(v + eps) * g + b


def setup_inputs(seed: int = 0) -> dict:
    key = jax.random.key(seed)
    ks = [jax.random.fold_in(key, i) for i in range(20)]
    inp = {}
    inp['user_idx'] = jax.random.randint(ks[0], (BATCH,), 0, N_USERS, dtype=jnp.int32)
    inp['item_idx'] = jax.random.randint(ks[1], (BATCH,), 0, N_ITEMS, dtype=jnp.int32)
    # embedding tables (padding row at index n_users / n_items, but normal init per module)
    inp['user_table'] = jax.random.normal(ks[2], (N_USERS + 1, N_FACTORS), dtype=jnp.float32) * 0.01
    inp['item_table'] = jax.random.normal(ks[3], (N_ITEMS + 1, N_FACTORS), dtype=jnp.float32) * 0.01
    # MLP layers: Linear(128->256), LN(256); Linear(256->128), LN(128); Linear(128->64), LN(64)
    kidx = 4
    for li, (din, dout) in enumerate(zip(HIDDEN[:-1], HIDDEN[1:])):
        scale = 1.0 / np.sqrt(din)
        inp[f'W{li}'] = jax.random.uniform(ks[kidx], (din, dout), dtype=jnp.float32, minval=-scale, maxval=scale); kidx += 1
        inp[f'b{li}'] = jax.random.uniform(ks[kidx], (dout,), dtype=jnp.float32, minval=-scale, maxval=scale); kidx += 1
        inp[f'g{li}'] = jnp.ones((dout,), dtype=jnp.float32)
        inp[f'be{li}'] = jnp.zeros((dout,), dtype=jnp.float32)
    scale = 1.0 / np.sqrt(HIDDEN[-1])
    inp['Wl'] = jax.random.uniform(ks[kidx], (HIDDEN[-1], 1), dtype=jnp.float32, minval=-scale, maxval=scale); kidx += 1
    inp['bl'] = jax.random.uniform(ks[kidx], (1,), dtype=jnp.float32, minval=-scale, maxval=scale)
    return inp


def reference(user_idx, item_idx, user_table, item_table,
              W0, b0, g0, be0, W1, b1, g1, be1, W2, b2, g2, be2, Wl, bl):
    u = jnp.take(user_table, user_idx, axis=0)
    v = jnp.take(item_table, item_idx, axis=0)
    x = jnp.concatenate([u, v], axis=-1)
    for W, b, g, be in ((W0, b0, g0, be0), (W1, b1, g1, be1), (W2, b2, g2, be2)):
        x = x @ W + b
        x = _layernorm(x, g, be)
        x = jax.nn.relu(x)
        # dropout=0.0 / eval mode -> identity
    logit = (x @ Wl + bl).squeeze(-1)
    return logit

if __name__ == "__main__":
    import jax
    _d = setup_inputs()
    print(jax.jit(kernel)(*tuple(_d.values())))

</pallas_src>

<mosaic_0001>
#map = affine_map<(d0, d1) -> (0)>
#map1 = affine_map<(d0, d1) -> (0, 0)>
module attributes {stable_mosaic.version = 14 : i64} {
  func.func @gather_k(%arg0: i32, %arg1: i32, %arg2: memref<8192xi32, #tpu.memory_space<hbm>>, %arg3: memref<8192xi32, #tpu.memory_space<hbm>>, %arg4: memref<100001x128xf32, #tpu.memory_space<hbm>>, %arg5: memref<8192x128xf32, #tpu.memory_space<hbm>>, %arg6: memref<8192x128xf32, #tpu.memory_space<hbm>>, %arg7: memref<256xi32, #tpu.memory_space<vmem>>, %arg8: memref<256xi32, #tpu.memory_space<vmem>>, %arg9: memref<256x128xf32, #tpu.memory_space<vmem>>, %arg10: memref<!tpu.dma_semaphore, #tpu.memory_space<semaphore_mem>>) attributes {dimension_semantics = [#tpu.dimension_semantics<core_parallel>, #tpu.dimension_semantics<subcore_parallel>], iteration_bounds = array<i64: 2, 16>, scalar_prefetch = 0 : i64, scratch_operands = 4 : i64, tpu.core_type = #tpu.core_type<sc_vector_subcore>, window_params = [{transform_indices = #map}, {transform_indices = #map}, {transform_indices = #map1}, {transform_indices = #map1}, {transform_indices = #map1}]} {
    %mul3A = arith.constant 2 : i32
    %mul3A_0 = arith.muli %arg1, %mul3A : i32
    %add3A = arith.addi %mul3A_0, %arg0 : i32
    %mul3A_1 = arith.constant 256 : i32
    %mul3A_2 = arith.muli %add3A, %mul3A_1 : i32
    "tpu.region"() ({
      %run_scoped3A = tpu.sem_alloc : memref<!tpu.dma_semaphore, #tpu.memory_space<semaphore_mem>>
      %dma_start3A_65 = tpu.memref_slice %arg2[%mul3A_2] : memref<8192xi32, #tpu.memory_space<hbm>> -> memref<256xi32, #tpu.memory_space<hbm>>
      %dma_start3A_66 = tpu.memref_slice %arg2[%mul3A_2] : memref<8192xi32, #tpu.memory_space<hbm>> -> memref<256xi32, #tpu.memory_space<hbm>>
      tpu.enqueue_dma source(%dma_start3A_66 : memref<256xi32, #tpu.memory_space<hbm>>) target(%arg7 : memref<256xi32, #tpu.memory_space<vmem>>) target_semaphore(%run_scoped3A : memref<!tpu.dma_semaphore, #tpu.memory_space<semaphore_mem>>)
      %dma_wait3A_67 = tpu.memref_slice %arg2[%mul3A_2] : memref<8192xi32, #tpu.memory_space<hbm>> -> memref<256xi32, #tpu.memory_space<hbm>>
      %dma_wait3A_68 = tpu.memref_slice %arg2[%mul3A_2] : memref<8192xi32, #tpu.memory_space<hbm>> -> memref<256xi32, #tpu.memory_space<hbm>>
      tpu.wait_dma2 semaphore(%run_scoped3A : memref<!tpu.dma_semaphore, #tpu.memory_space<semaphore_mem>>) src(%dma_wait3A_68 : memref<256xi32, #tpu.memory_space<hbm>>) dst(%arg7 : memref<256xi32, #tpu.memory_space<vmem>>)
      tpu.yield
    }) : () -> ()
    "tpu.region"() ({
      %run_scoped3A = tpu.sem_alloc : memref<!tpu.dma_semaphore, #tpu.memory_space<semaphore_mem>>
      %dma_start3A_65 = tpu.memref_slice %arg3[%mul3A_2] : memref<8192xi32, #tpu.memory_space<hbm>> -> memref<256xi32, #tpu.memory_space<hbm>>
      %dma_start3A_66 = tpu.memref_slice %arg3[%mul3A_2] : memref<8192xi32, #tpu.memory_space<hbm>> -> memref<256xi32, #tpu.memory_space<hbm>>
      tpu.enqueue_dma source(%dma_start3A_66 : memref<256xi32, #tpu.memory_space<hbm>>) target(%arg8 : memref<256xi32, #tpu.memory_space<vmem>>) target_semaphore(%run_scoped3A : memref<!tpu.dma_semaphore, #tpu.memory_space<semaphore_mem>>)
      %dma_wait3A_67 = tpu.memref_slice %arg3[%mul3A_2] : memref<8192xi32, #tpu.memory_space<hbm>> -> memref<256xi32, #tpu.memory_space<hbm>>
      %dma_wait3A_68 = tpu.memref_slice %arg3[%mul3A_2] : memref<8192xi32, #tpu.memory_space<hbm>> -> memref<256xi32, #tpu.memory_space<hbm>>
      tpu.wait_dma2 semaphore(%run_scoped3A : memref<!tpu.dma_semaphore, #tpu.memory_space<semaphore_mem>>) src(%dma_wait3A_68 : memref<256xi32, #tpu.memory_space<hbm>>) dst(%arg8 : memref<256xi32, #tpu.memory_space<vmem>>)
      tpu.yield
    }) : () -> ()
    %dma_start3A = arith.constant 0 : i32
    %dma_start3A_3 = arith.constant 0 : i32
    %dma_start3A_4 = tpu.memref_slice %arg9[%dma_start3A, %dma_start3A_3] : memref<256x128xf32, #tpu.memory_space<vmem>> -> memref<128x128xf32, #tpu.memory_space<vmem>>
    %dma_start3A_5 = arith.constant 0 : i32
    %dma_start3A_6 = tpu.memref_slice %arg7[%dma_start3A_5] : memref<256xi32, #tpu.memory_space<vmem>> -> memref<128xi32, #tpu.memory_space<vmem>>
    %dma_start3A_7 = arith.constant 0 : i32
    %dma_start3A_8 = arith.constant 0 : i32
    %dma_start3A_9 = tpu.memref_slice %arg4[%dma_start3A_7, %dma_start3A_8] : memref<100001x128xf32, #tpu.memory_space<hbm>> -> memref<100001x128xf32, #tpu.memory_space<hbm>>
    tpu.enqueue_indirect_dma source(%dma_start3A_9 : memref<100001x128xf32, #tpu.memory_space<hbm>>) target(%dma_start3A_4 : memref<128x128xf32, #tpu.memory_space<vmem>>) offsets(%dma_start3A_6 : memref<128xi32, #tpu.memory_space<vmem>>) semaphore(%arg10 : memref<!tpu.dma_semaphore, #tpu.memory_space<semaphore_mem>>)
    %dma_start3A_10 = arith.constant 128 : i32
    %dma_start3A_11 = arith.constant 0 : i32
    %dma_start3A_12 = tpu.memref_slice %arg9[%dma_start3A_10, %dma_start3A_11] : memref<256x128xf32, #tpu.memory_space<vmem>> -> memref<128x128xf32, #tpu.memory_space<vmem>>
    %dma_start3A_13 = arith.constant 128 : i32
    %dma_start3A_14 = tpu.memref_slice %arg7[%dma_start3A_13] : memref<256xi32, #tpu.memory_space<vmem>> -> memref<128xi32, #tpu.memory_space<vmem>>
    %dma_start3A_15 = arith.constant 0 : i32
    %dma_start3A_16 = arith.constant 0 : i32
    %dma_start3A_17 = tpu.memref_slice %arg4[%dma_start3A_15, %dma_start3A_16] : memref<100001x128xf32, #tpu.memory_space<hbm>> -> memref<100001x128xf32, #tpu.memory_space<hbm>>
    tpu.enqueue_indirect_dma source(%dma_start3A_17 : memref<100001x128xf32, #tpu.memory_space<hbm>>) target(%dma_start3A_12 : memref<128x128xf32, #tpu.memory_space<vmem>>) offsets(%dma_start3A_14 : memref<128xi32, #tpu.memory_space<vmem>>) semaphore(%arg10 : memref<!tpu.dma_semaphore, #tpu.memory_space<semaphore_mem>>)
    %dma_wait3A = arith.constant 0 : i32
    %dma_wait3A_18 = arith.constant 0 : i32
    %dma_wait3A_19 = tpu.memref_slice %arg9[%dma_wait3A, %dma_wait3A_18] : memref<256x128xf32, #tpu.memory_space<vmem>> -> memref<128x128xf32, #tpu.memory_space<vmem>>
    %dma_wait3A_20 = arith.constant 0 : i32
    %dma_wait3A_21 = tpu.memref_slice %arg7[%dma_wait3A_20] : memref<256xi32, #tpu.memory_space<vmem>> -> memref<128xi32, #tpu.memory_space<vmem>>
    %dma_wait3A_22 = arith.constant 0 : i32
    %dma_wait3A_23 = arith.constant 0 : i32
    %dma_wait3A_24 = tpu.memref_slice %arg4[%dma_wait3A_22, %dma_wait3A_23] : memref<100001x128xf32, #tpu.memory_space<hbm>> -> memref<100001x128xf32, #tpu.memory_space<hbm>>
    tpu.wait_indirect_dma semaphore(%arg10 : memref<!tpu.dma_semaphore, #tpu.memory_space<semaphore_mem>>) src(%dma_wait3A_24 : memref<100001x128xf32, #tpu.memory_space<hbm>>) dst(%dma_wait3A_19 : memref<128x128xf32, #tpu.memory_space<vmem>>)
    %dma_wait3A_25 = arith.constant 128 : i32
    %dma_wait3A_26 = arith.constant 0 : i32
    %dma_wait3A_27 = tpu.memref_slice %arg9[%dma_wait3A_25, %dma_wait3A_26] : memref<256x128xf32, #tpu.memory_space<vmem>> -> memref<128x128xf32, #tpu.memory_space<vmem>>
    %dma_wait3A_28 = arith.constant 128 : i32
    %dma_wait3A_29 = tpu.memref_slice %arg7[%dma_wait3A_28] : memref<256xi32, #tpu.memory_space<vmem>> -> memref<128xi32, #tpu.memory_space<vmem>>
    %dma_wait3A_30 = arith.constant 0 : i32
    %dma_wait3A_31 = arith.constant 0 : i32
    %dma_wait3A_32 = tpu.memref_slice %arg4[%dma_wait3A_30, %dma_wait3A_31] : memref<100001x128xf32, #tpu.memory_space<hbm>> -> memref<100001x128xf32, #tpu.memory_space<hbm>>
    tpu.wait_indirect_dma semaphore(%arg10 : memref<!tpu.dma_semaphore, #tpu.memory_space<semaphore_mem>>) src(%dma_wait3A_32 : memref<100001x128xf32, #tpu.memory_space<hbm>>) dst(%dma_wait3A_27 : memref<128x128xf32, #tpu.memory_space<vmem>>)
    "tpu.region"() ({
      %run_scoped3A = tpu.sem_alloc : memref<!tpu.dma_semaphore, #tpu.memory_space<semaphore_mem>>
      %dma_start3A_65 = arith.constant 0 : i32
      %dma_start3A_66 = tpu.memref_slice %arg5[%mul3A_2, %dma_start3A_65] : memref<8192x128xf32, #tpu.memory_space<hbm>> -> memref<256x128xf32, #tpu.memory_space<hbm>>
      %dma_start3A_67 = arith.constant 0 : i32
      %dma_start3A_68 = tpu.memref_slice %arg5[%mul3A_2, %dma_start3A_67] : memref<8192x128xf32, #tpu.memory_space<hbm>> -> memref<256x128xf32, #tpu.memory_space<hbm>>
      tpu.enqueue_dma source(%arg9 : memref<256x128xf32, #tpu.memory_space<vmem>>) target(%dma_start3A_68 : memref<256x128xf32, #tpu.memory_space<hbm>>) target_semaphore(%run_scoped3A : memref<!tpu.dma_semaphore, #tpu.memory_space<semaphore_mem>>)
      %dma_wait3A_69 = arith.constant 0 : i32
      %dma_wait3A_70 = tpu.memref_slice %arg5[%mul3A_2, %dma_wait3A_69] : memref<8192x128xf32, #tpu.memory_space<hbm>> -> memref<256x128xf32, #tpu.memory_space<hbm>>
      %dma_wait3A_71 = arith.constant 0 : i32
      %dma_wait3A_72 = tpu.memref_slice %arg5[%mul3A_2, %dma_wait3A_71] : memref<8192x128xf32, #tpu.memory_space<hbm>> -> memref<256x128xf32, #tpu.memory_space<hbm>>
      tpu.wait_dma2 semaphore(%run_scoped3A : memref<!tpu.dma_semaphore, #tpu.memory_space<semaphore_mem>>) src(%arg9 : memref<256x128xf32, #tpu.memory_space<vmem>>) dst(%dma_wait3A_72 : memref<256x128xf32, #tpu.memory_space<hbm>>)
      tpu.yield
    }) : () -> ()
    %dma_start3A_33 = arith.constant 0 : i32
    %dma_start3A_34 = arith.constant 0 : i32
    %dma_start3A_35 = tpu.memref_slice %arg9[%dma_start3A_33, %dma_start3A_34] : memref<256x128xf32, #tpu.memory_space<vmem>> -> memref<128x128xf32, #tpu.memory_space<vmem>>
    %dma_start3A_36 = arith.constant 0 : i32
    %dma_start3A_37 = tpu.memref_slice %arg8[%dma_start3A_36] : memref<256xi32, #tpu.memory_space<vmem>> -> memref<128xi32, #tpu.memory_space<vmem>>
    %dma_start3A_38 = arith.constant 0 : i32
    %dma_start3A_39 = arith.constant 0 : i32
    %dma_start3A_40 = tpu.memref_slice %arg4[%dma_start3A_38, %dma_start3A_39] : memref<100001x128xf32, #tpu.memory_space<hbm>> -> memref<100001x128xf32, #tpu.memory_space<hbm>>
    tpu.enqueue_indirect_dma source(%dma_start3A_40 : memref<100001x128xf32, #tpu.memory_space<hbm>>) target(%dma_start3A_35 : memref<128x128xf32, #tpu.memory_space<vmem>>) offsets(%dma_start3A_37 : memref<128xi32, #tpu.memory_space<vmem>>) semaphore(%arg10 : memref<!tpu.dma_semaphore, #tpu.memory_space<semaphore_mem>>)
    %dma_start3A_41 = arith.constant 128 : i32
    %dma_start3A_42 = arith.constant 0 : i32
    %dma_start3A_43 = tpu.memref_slice %arg9[%dma_start3A_41, %dma_start3A_42] : memref<256x128xf32, #tpu.memory_space<vmem>> -> memref<128x128xf32, #tpu.memory_space<vmem>>
    %dma_start3A_44 = arith.constant 128 : i32
    %dma_start3A_45 = tpu.memref_slice %arg8[%dma_start3A_44] : memref<256xi32, #tpu.memory_space<vmem>> -> memref<128xi32, #tpu.memory_space<vmem>>
    %dma_start3A_46 = arith.constant 0 : i32
    %dma_start3A_47 = arith.constant 0 : i32
    %dma_start3A_48 = tpu.memref_slice %arg4[%dma_start3A_46, %dma_start3A_47] : memref<100001x128xf32, #tpu.memory_space<hbm>> -> memref<100001x128xf32, #tpu.memory_space<hbm>>
    tpu.enqueue_indirect_dma source(%dma_start3A_48 : memref<100001x128xf32, #tpu.memory_space<hbm>>) target(%dma_start3A_43 : memref<128x128xf32, #tpu.memory_space<vmem>>) offsets(%dma_start3A_45 : memref<128xi32, #tpu.memory_space<vmem>>) semaphore(%arg10 : memref<!tpu.dma_semaphore, #tpu.memory_space<semaphore_mem>>)
    %dma_wait3A_49 = arith.constant 0 : i32
    %dma_wait3A_50 = arith.constant 0 : i32
    %dma_wait3A_51 = tpu.memref_slice %arg9[%dma_wait3A_49, %dma_wait3A_50] : memref<256x128xf32, #tpu.memory_space<vmem>> -> memref<128x128xf32, #tpu.memory_space<vmem>>
    %dma_wait3A_52 = arith.constant 0 : i32
    %dma_wait3A_53 = tpu.memref_slice %arg8[%dma_wait3A_52] : memref<256xi32, #tpu.memory_space<vmem>> -> memref<128xi32, #tpu.memory_space<vmem>>
    %dma_wait3A_54 = arith.constant 0 : i32
    %dma_wait3A_55 = arith.constant 0 : i32
    %dma_wait3A_56 = tpu.memref_slice %arg4[%dma_wait3A_54, %dma_wait3A_55] : memref<100001x128xf32, #tpu.memory_space<hbm>> -> memref<100001x128xf32, #tpu.memory_space<hbm>>
    tpu.wait_indirect_dma semaphore(%arg10 : memref<!tpu.dma_semaphore, #tpu.memory_space<semaphore_mem>>) src(%dma_wait3A_56 : memref<100001x128xf32, #tpu.memory_space<hbm>>) dst(%dma_wait3A_51 : memref<128x128xf32, #tpu.memory_space<vmem>>)
    %dma_wait3A_57 = arith.constant 128 : i32
    %dma_wait3A_58 = arith.constant 0 : i32
    %dma_wait3A_59 = tpu.memref_slice %arg9[%dma_wait3A_57, %dma_wait3A_58] : memref<256x128xf32, #tpu.memory_space<vmem>> -> memref<128x128xf32, #tpu.memory_space<vmem>>
    %dma_wait3A_60 = arith.constant 128 : i32
    %dma_wait3A_61 = tpu.memref_slice %arg8[%dma_wait3A_60] : memref<256xi32, #tpu.memory_space<vmem>> -> memref<128xi32, #tpu.memory_space<vmem>>
    %dma_wait3A_62 = arith.constant 0 : i32
    %dma_wait3A_63 = arith.constant 0 : i32
    %dma_wait3A_64 = tpu.memref_slice %arg4[%dma_wait3A_62, %dma_wait3A_63] : memref<100001x128xf32, #tpu.memory_space<hbm>> -> memref<100001x128xf32, #tpu.memory_space<hbm>>
    tpu.wait_indirect_dma semaphore(%arg10 : memref<!tpu.dma_semaphore, #tpu.memory_space<semaphore_mem>>) src(%dma_wait3A_64 : memref<100001x128xf32, #tpu.memory_space<hbm>>) dst(%dma_wait3A_59 : memref<128x128xf32, #tpu.memory_space<vmem>>)
    "tpu.region"() ({
      %run_scoped3A = tpu.sem_alloc : memref<!tpu.dma_semaphore, #tpu.memory_space<semaphore_mem>>
      %dma_start3A_65 = arith.constant 0 : i32
      %dma_start3A_66 = tpu.memref_slice %arg6[%mul3A_2, %dma_start3A_65] : memref<8192x128xf32, #tpu.memory_space<hbm>> -> memref<256x128xf32, #tpu.memory_space<hbm>>
      %dma_start3A_67 = arith.constant 0 : i32
      %dma_start3A_68 = tpu.memref_slice %arg6[%mul3A_2, %dma_start3A_67] : memref<8192x128xf32, #tpu.memory_space<hbm>> -> memref<256x128xf32, #tpu.memory_space<hbm>>
      tpu.enqueue_dma source(%arg9 : memref<256x128xf32, #tpu.memory_space<vmem>>) target(%dma_start3A_68 : memref<256x128xf32, #tpu.memory_space<hbm>>) target_semaphore(%run_scoped3A : memref<!tpu.dma_semaphore, #tpu.memory_space<semaphore_mem>>)
      %dma_wait3A_69 = arith.constant 0 : i32
      %dma_wait3A_70 = tpu.memref_slice %arg6[%mul3A_2, %dma_wait3A_69] : memref<8192x128xf32, #tpu.memory_space<hbm>> -> memref<256x128xf32, #tpu.memory_space<hbm>>
      %dma_wait3A_71 = arith.constant 0 : i32
      %dma_wait3A_72 = tpu.memref_slice %arg6[%mul3A_2, %dma_wait3A_71] : memref<8192x128xf32, #tpu.memory_space<hbm>> -> memref<256x128xf32, #tpu.memory_space<hbm>>
      tpu.wait_dma2 semaphore(%run_scoped3A : memref<!tpu.dma_semaphore, #tpu.memory_space<semaphore_mem>>) src(%arg9 : memref<256x128xf32, #tpu.memory_space<vmem>>) dst(%dma_wait3A_72 : memref<256x128xf32, #tpu.memory_space<hbm>>)
      tpu.yield
    }) : () -> ()
    return
  }
}

#map = affine_map<(d0, d1) -> (0)>
#map1 = affine_map<(d0, d1) -> (0, 0)>
module attributes {stable_mosaic.version = 14 : i64} {
  func.func @gather_k(%arg0: i32, %arg1: i32, %arg2: memref<8192xi32, #tpu.memory_space<hbm>>, %arg3: memref<8192xi32, #tpu.memory_space<hbm>>, %arg4: memref<100001x128xf32, #tpu.memory_space<hbm>>, %arg5: memref<8192x128xf32, #tpu.memory_space<hbm>>, %arg6: memref<8192x128xf32, #tpu.memory_space<hbm>>, %arg7: memref<256xi32, #tpu.memory_space<vmem>>, %arg8: memref<256xi32, #tpu.memory_space<vmem>>, %arg9: memref<256x128xf32, #tpu.memory_space<vmem>>, %arg10: memref<!tpu.dma_semaphore, #tpu.memory_space<semaphore_mem>>) attributes {dimension_semantics = [#tpu.dimension_semantics<core_parallel>, #tpu.dimension_semantics<subcore_parallel>], iteration_bounds = array<i64: 2, 16>, scalar_prefetch = 0 : i64, scratch_operands = 4 : i64, tpu.core_type = #tpu.core_type<sc_vector_subcore>, window_params = [{transform_indices = #map}, {transform_indices = #map}, {transform_indices = #map1}, {transform_indices = #map1}, {transform_indices = #map1}]} {
    %mul3A = arith.constant 2 : i32
    %mul3A_0 = arith.muli %arg1, %mul3A : i32
    %add3A = arith.addi %mul3A_0, %arg0 : i32
    %mul3A_1 = arith.constant 256 : i32
    %mul3A_2 = arith.muli %add3A, %mul3A_1 : i32
    "tpu.region"() ({
      %run_scoped3A = tpu.sem_alloc : memref<!tpu.dma_semaphore, #tpu.memory_space<semaphore_mem>>
      %dma_start3A_65 = tpu.memref_slice %arg2[%mul3A_2] : memref<8192xi32, #tpu.memory_space<hbm>> -> memref<256xi32, #tpu.memory_space<hbm>>
      %dma_start3A_66 = tpu.memref_slice %arg2[%mul3A_2] : memref<8192xi32, #tpu.memory_space<hbm>> -> memref<256xi32, #tpu.memory_space<hbm>>
      tpu.enqueue_dma source(%dma_start3A_66 : memref<256xi32, #tpu.memory_space<hbm>>) target(%arg7 : memref<256xi32, #tpu.memory_space<vmem>>) target_semaphore(%run_scoped3A : memref<!tpu.dma_semaphore, #tpu.memory_space<semaphore_mem>>)
      %dma_wait3A_67 = tpu.memref_slice %arg2[%mul3A_2] : memref<8192xi32, #tpu.memory_space<hbm>> -> memref<256xi32, #tpu.memory_space<hbm>>
      %dma_wait3A_68 = tpu.memref_slice %arg2[%mul3A_2] : memref<8192xi32, #tpu.memory_space<hbm>> -> memref<256xi32, #tpu.memory_space<hbm>>
      tpu.wait_dma2 semaphore(%run_scoped3A : memref<!tpu.dma_semaphore, #tpu.memory_space<semaphore_mem>>) src(%dma_wait3A_68 : memref<256xi32, #tpu.memory_space<hbm>>) dst(%arg7 : memref<256xi32, #tpu.memory_space<vmem>>)
      tpu.yield
    }) : () -> ()
    "tpu.region"() ({
      %run_scoped3A = tpu.sem_alloc : memref<!tpu.dma_semaphore, #tpu.memory_space<semaphore_mem>>
      %dma_start3A_65 = tpu.memref_slice %arg3[%mul3A_2] : memref<8192xi32, #tpu.memory_space<hbm>> -> memref<256xi32, #tpu.memory_space<hbm>>
      %dma_start3A_66 = tpu.memref_slice %arg3[%mul3A_2] : memref<8192xi32, #tpu.memory_space<hbm>> -> memref<256xi32, #tpu.memory_space<hbm>>
      tpu.enqueue_dma source(%dma_start3A_66 : memref<256xi32, #tpu.memory_space<hbm>>) target(%arg8 : memref<256xi32, #tpu.memory_space<vmem>>) target_semaphore(%run_scoped3A : memref<!tpu.dma_semaphore, #tpu.memory_space<semaphore_mem>>)
      %dma_wait3A_67 = tpu.memref_slice %arg3[%mul3A_2] : memref<8192xi32, #tpu.memory_space<hbm>> -> memref<256xi32, #tpu.memory_space<hbm>>
      %dma_wait3A_68 = tpu.memref_slice %arg3[%mul3A_2] : memref<8192xi32, #tpu.memory_space<hbm>> -> memref<256xi32, #tpu.memory_space<hbm>>
      tpu.wait_dma2 semaphore(%run_scoped3A : memref<!tpu.dma_semaphore, #tpu.memory_space<semaphore_mem>>) src(%dma_wait3A_68 : memref<256xi32, #tpu.memory_space<hbm>>) dst(%arg8 : memref<256xi32, #tpu.memory_space<vmem>>)
      tpu.yield
    }) : () -> ()
    %dma_start3A = arith.constant 0 : i32
    %dma_start3A_3 = arith.constant 0 : i32
    %dma_start3A_4 = tpu.memref_slice %arg9[%dma_start3A, %dma_start3A_3] : memref<256x128xf32, #tpu.memory_space<vmem>> -> memref<128x128xf32, #tpu.memory_space<vmem>>
    %dma_start3A_5 = arith.constant 0 : i32
    %dma_start3A_6 = tpu.memref_slice %arg7[%dma_start3A_5] : memref<256xi32, #tpu.memory_space<vmem>> -> memref<128xi32, #tpu.memory_space<vmem>>
    %dma_start3A_7 = arith.constant 0 : i32
    %dma_start3A_8 = arith.constant 0 : i32
    %dma_start3A_9 = tpu.memref_slice %arg4[%dma_start3A_7, %dma_start3A_8] : memref<100001x128xf32, #tpu.memory_space<hbm>> -> memref<100001x128xf32, #tpu.memory_space<hbm>>
    tpu.enqueue_indirect_dma source(%dma_start3A_9 : memref<100001x128xf32, #tpu.memory_space<hbm>>) target(%dma_start3A_4 : memref<128x128xf32, #tpu.memory_space<vmem>>) offsets(%dma_start3A_6 : memref<128xi32, #tpu.memory_space<vmem>>) semaphore(%arg10 : memref<!tpu.dma_semaphore, #tpu.memory_space<semaphore_mem>>)
    %dma_start3A_10 = arith.constant 128 : i32
    %dma_start3A_11 = arith.constant 0 : i32
    %dma_start3A_12 = tpu.memref_slice %arg9[%dma_start3A_10, %dma_start3A_11] : memref<256x128xf32, #tpu.memory_space<vmem>> -> memref<128x128xf32, #tpu.memory_space<vmem>>
    %dma_start3A_13 = arith.constant 128 : i32
    %dma_start3A_14 = tpu.memref_slice %arg7[%dma_start3A_13] : memref<256xi32, #tpu.memory_space<vmem>> -> memref<128xi32, #tpu.memory_space<vmem>>
    %dma_start3A_15 = arith.constant 0 : i32
    %dma_start3A_16 = arith.constant 0 : i32
    %dma_start3A_17 = tpu.memref_slice %arg4[%dma_start3A_15, %dma_start3A_16] : memref<100001x128xf32, #tpu.memory_space<hbm>> -> memref<100001x128xf32, #tpu.memory_space<hbm>>
    tpu.enqueue_indirect_dma source(%dma_start3A_17 : memref<100001x128xf32, #tpu.memory_space<hbm>>) target(%dma_start3A_12 : memref<128x128xf32, #tpu.memory_space<vmem>>) offsets(%dma_start3A_14 : memref<128xi32, #tpu.memory_space<vmem>>) semaphore(%arg10 : memref<!tpu.dma_semaphore, #tpu.memory_space<semaphore_mem>>)
    %dma_wait3A = arith.constant 0 : i32
    %dma_wait3A_18 = arith.constant 0 : i32
    %dma_wait3A_19 = tpu.memref_slice %arg9[%dma_wait3A, %dma_wait3A_18] : memref<256x128xf32, #tpu.memory_space<vmem>> -> memref<128x128xf32, #tpu.memory_space<vmem>>
    %dma_wait3A_20 = arith.constant 0 : i32
    %dma_wait3A_21 = tpu.memref_slice %arg7[%dma_wait3A_20] : memref<256xi32, #tpu.memory_space<vmem>> -> memref<128xi32, #tpu.memory_space<vmem>>
    %dma_wait3A_22 = arith.constant 0 : i32
    %dma_wait3A_23 = arith.constant 0 : i32
    %dma_wait3A_24 = tpu.memref_slice %arg4[%dma_wait3A_22, %dma_wait3A_23] : memref<100001x128xf32, #tpu.memory_space<hbm>> -> memref<100001x128xf32, #tpu.memory_space<hbm>>
    tpu.wait_indirect_dma semaphore(%arg10 : memref<!tpu.dma_semaphore, #tpu.memory_space<semaphore_mem>>) src(%dma_wait3A_24 : memref<100001x128xf32, #tpu.memory_space<hbm>>) dst(%dma_wait3A_19 : memref<128x128xf32, #tpu.memory_space<vmem>>)
    %dma_wait3A_25 = arith.constant 128 : i32
    %dma_wait3A_26 = arith.constant 0 : i32
    %dma_wait3A_27 = tpu.memref_slice %arg9[%dma_wait3A_25, %dma_wait3A_26] : memref<256x128xf32, #tpu.memory_space<vmem>> -> memref<128x128xf32, #tpu.memory_space<vmem>>
    %dma_wait3A_28 = arith.constant 128 : i32
    %dma_wait3A_29 = tpu.memref_slice %arg7[%dma_wait3A_28] : memref<256xi32, #tpu.memory_space<vmem>> -> memref<128xi32, #tpu.memory_space<vmem>>
    %dma_wait3A_30 = arith.constant 0 : i32
    %dma_wait3A_31 = arith.constant 0 : i32
    %dma_wait3A_32 = tpu.memref_slice %arg4[%dma_wait3A_30, %dma_wait3A_31] : memref<100001x128xf32, #tpu.memory_space<hbm>> -> memref<100001x128xf32, #tpu.memory_space<hbm>>
    tpu.wait_indirect_dma semaphore(%arg10 : memref<!tpu.dma_semaphore, #tpu.memory_space<semaphore_mem>>) src(%dma_wait3A_32 : memref<100001x128xf32, #tpu.memory_space<hbm>>) dst(%dma_wait3A_27 : memref<128x128xf32, #tpu.memory_space<vmem>>)
    "tpu.region"() ({
      %run_scoped3A = tpu.sem_alloc : memref<!tpu.dma_semaphore, #tpu.memory_space<semaphore_mem>>
      %dma_start3A_65 = arith.constant 0 : i32
      %dma_start3A_66 = tpu.memref_slice %arg5[%mul3A_2, %dma_start3A_65] : memref<8192x128xf32, #tpu.memory_space<hbm>> -> memref<256x128xf32, #tpu.memory_space<hbm>>
      %dma_start3A_67 = arith.constant 0 : i32
      %dma_start3A_68 = tpu.memref_slice %arg5[%mul3A_2, %dma_start3A_67] : memref<8192x128xf32, #tpu.memory_space<hbm>> -> memref<256x128xf32, #tpu.memory_space<hbm>>
      tpu.enqueue_dma source(%arg9 : memref<256x128xf32, #tpu.memory_space<vmem>>) target(%dma_start3A_68 : memref<256x128xf32, #tpu.memory_space<hbm>>) target_semaphore(%run_scoped3A : memref<!tpu.dma_semaphore, #tpu.memory_space<semaphore_mem>>)
      %dma_wait3A_69 = arith.constant 0 : i32
      %dma_wait3A_70 = tpu.memref_slice %arg5[%mul3A_2, %dma_wait3A_69] : memref<8192x128xf32, #tpu.memory_space<hbm>> -> memref<256x128xf32, #tpu.memory_space<hbm>>
      %dma_wait3A_71 = arith.constant 0 : i32
      %dma_wait3A_72 = tpu.memref_slice %arg5[%mul3A_2, %dma_wait3A_71] : memref<8192x128xf32, #tpu.memory_space<hbm>> -> memref<256x128xf32, #tpu.memory_space<hbm>>
      tpu.wait_dma2 semaphore(%run_scoped3A : memref<!tpu.dma_semaphore, #tpu.memory_space<semaphore_mem>>) src(%arg9 : memref<256x128xf32, #tpu.memory_space<vmem>>) dst(%dma_wait3A_72 : memref<256x128xf32, #tpu.memory_space<hbm>>)
      tpu.yield
    }) : () -> ()
    %dma_start3A_33 = arith.constant 0 : i32
    %dma_start3A_34 = arith.constant 0 : i32
    %dma_start3A_35 = tpu.memref_slice %arg9[%dma_start3A_33, %dma_start3A_34] : memref<256x128xf32, #tpu.memory_space<vmem>> -> memref<128x128xf32, #tpu.memory_space<vmem>>
    %dma_start3A_36 = arith.constant 0 : i32
    %dma_start3A_37 = tpu.memref_slice %arg8[%dma_start3A_36] : memref<256xi32, #tpu.memory_space<vmem>> -> memref<128xi32, #tpu.memory_space<vmem>>
    %dma_start3A_38 = arith.constant 0 : i32
    %dma_start3A_39 = arith.constant 0 : i32
    %dma_start3A_40 = tpu.memref_slice %arg4[%dma_start3A_38, %dma_start3A_39] : memref<100001x128xf32, #tpu.memory_space<hbm>> -> memref<100001x128xf32, #tpu.memory_space<hbm>>
    tpu.enqueue_indirect_dma source(%dma_start3A_40 : memref<100001x128xf32, #tpu.memory_space<hbm>>) target(%dma_start3A_35 : memref<128x128xf32, #tpu.memory_space<vmem>>) offsets(%dma_start3A_37 : memref<128xi32, #tpu.memory_space<vmem>>) semaphore(%arg10 : memref<!tpu.dma_semaphore, #tpu.memory_space<semaphore_mem>>)
    %dma_start3A_41 = arith.constant 128 : i32
    %dma_start3A_42 = arith.constant 0 : i32
    %dma_start3A_43 = tpu.memref_slice %arg9[%dma_start3A_41, %dma_start3A_42] : memref<256x128xf32, #tpu.memory_space<vmem>> -> memref<128x128xf32, #tpu.memory_space<vmem>>
    %dma_start3A_44 = arith.constant 128 : i32
    %dma_start3A_45 = tpu.memref_slice %arg8[%dma_start3A_44] : memref<256xi32, #tpu.memory_space<vmem>> -> memref<128xi32, #tpu.memory_space<vmem>>
    %dma_start3A_46 = arith.constant 0 : i32
    %dma_start3A_47 = arith.constant 0 : i32
    %dma_start3A_48 = tpu.memref_slice %arg4[%dma_start3A_46, %dma_start3A_47] : memref<100001x128xf32, #tpu.memory_space<hbm>> -> memref<100001x128xf32, #tpu.memory_space<hbm>>
    tpu.enqueue_indirect_dma source(%dma_start3A_48 : memref<100001x128xf32, #tpu.memory_space<hbm>>) target(%dma_start3A_43 : memref<128x128xf32, #tpu.memory_space<vmem>>) offsets(%dma_start3A_45 : memref<128xi32, #tpu.memory_space<vmem>>) semaphore(%arg10 : memref<!tpu.dma_semaphore, #tpu.memory_space<semaphore_mem>>)
    %dma_wait3A_49 = arith.constant 0 : i32
    %dma_wait3A_50 = arith.constant 0 : i32
    %dma_wait3A_51 = tpu.memref_slice %arg9[%dma_wait3A_49, %dma_wait3A_50] : memref<256x128xf32, #tpu.memory_space<vmem>> -> memref<128x128xf32, #tpu.memory_space<vmem>>
    %dma_wait3A_52 = arith.constant 0 : i32
    %dma_wait3A_53 = tpu.memref_slice %arg8[%dma_wait3A_52] : memref<256xi32, #tpu.memory_space<vmem>> -> memref<128xi32, #tpu.memory_space<vmem>>
    %dma_wait3A_54 = arith.constant 0 : i32
    %dma_wait3A_55 = arith.constant 0 : i32
    %dma_wait3A_56 = tpu.memref_slice %arg4[%dma_wait3A_54, %dma_wait3A_55] : memref<100001x128xf32, #tpu.memory_space<hbm>> -> memref<100001x128xf32, #tpu.memory_space<hbm>>
    tpu.wait_indirect_dma semaphore(%arg10 : memref<!tpu.dma_semaphore, #tpu.memory_space<semaphore_mem>>) src(%dma_wait3A_56 : memref<100001x128xf32, #tpu.memory_space<hbm>>) dst(%dma_wait3A_51 : memref<128x128xf32, #tpu.memory_space<vmem>>)
    %dma_wait3A_57 = arith.constant 128 : i32
    %dma_wait3A_58 = arith.constant 0 : i32
    %dma_wait3A_59 = tpu.memref_slice %arg9[%dma_wait3A_57, %dma_wait3A_58] : memref<256x128xf32, #tpu.memory_space<vmem>> -> memref<128x128xf32, #tpu.memory_space<vmem>>
    %dma_wait3A_60 = arith.constant 128 : i32
    %dma_wait3A_61 = tpu.memref_slice %arg8[%dma_wait3A_60] : memref<256xi32, #tpu.memory_space<vmem>> -> memref<128xi32, #tpu.memory_space<vmem>>
    %dma_wait3A_62 = arith.constant 0 : i32
    %dma_wait3A_63 = arith.constant 0 : i32
    %dma_wait3A_64 = tpu.memref_slice %arg4[%dma_wait3A_62, %dma_wait3A_63] : memref<100001x128xf32, #tpu.memory_space<hbm>> -> memref<100001x128xf32, #tpu.memory_space<hbm>>
    tpu.wait_indirect_dma semaphore(%arg10 : memref<!tpu.dma_semaphore, #tpu.memory_space<semaphore_mem>>) src(%dma_wait3A_64 : memref<100001x128xf32, #tpu.memory_space<hbm>>) dst(%dma_wait3A_59 : memref<128x128xf32, #tpu.memory_space<vmem>>)
    "tpu.region"() ({
      %run_scoped3A = tpu.sem_alloc : memref<!tpu.dma_semaphore, #tpu.memory_space<semaphore_mem>>
      %dma_start3A_65 = arith.constant 0 : i32
      %dma_start3A_66 = tpu.memref_slice %arg6[%mul3A_2, %dma_start3A_65] : memref<8192x128xf32, #tpu.memory_space<hbm>> -> memref<256x128xf32, #tpu.memory_space<hbm>>
      %dma_start3A_67 = arith.constant 0 : i32
      %dma_start3A_68 = tpu.memref_slice %arg6[%mul3A_2, %dma_start3A_67] : memref<8192x128xf32, #tpu.memory_space<hbm>> -> memref<256x128xf32, #tpu.memory_space<hbm>>
      tpu.enqueue_dma source(%arg9 : memref<256x128xf32, #tpu.memory_space<vmem>>) target(%dma_start3A_68 : memref<256x128xf32, #tpu.memory_space<hbm>>) target_semaphore(%run_scoped3A : memref<!tpu.dma_semaphore, #tpu.memory_space<semaphore_mem>>)
      %dma_wait3A_69 = arith.constant 0 : i32
      %dma_wait3A_70 = tpu.memref_slice %arg6[%mul3A_2, %dma_wait3A_69] : memref<8192x128xf32, #tpu.memory_space<hbm>> -> memref<256x128xf32, #tpu.memory_space<hbm>>
      %dma_wait3A_71 = arith.constant 0 : i32
      %dma_wait3A_72 = tpu.memref_slice %arg6[%mul3A_2, %dma_wait3A_71] : memref<8192x128xf32, #tpu.memory_space<hbm>> -> memref<256x128xf32, #tpu.memory_space<hbm>>
      tpu.wait_dma2 semaphore(%run_scoped3A : memref<!tpu.dma_semaphore, #tpu.memory_space<semaphore_mem>>) src(%arg9 : memref<256x128xf32, #tpu.memory_space<vmem>>) dst(%dma_wait3A_72 : memref<256x128xf32, #tpu.memory_space<hbm>>)
      tpu.yield
    }) : () -> ()
    return
  }
}

module attributes {stable_mosaic.version = 14 : i64} {
  func.func @_mlp_body(%arg0: i32, %arg1: memref<2048x128xf32, #tpu.memory_space<vmem>>, %arg2: memref<2048x128xf32, #tpu.memory_space<vmem>>, %arg3: memref<128x256xf32, #tpu.memory_space<vmem>>, %arg4: memref<1x256xf32, #tpu.memory_space<vmem>>, %arg5: memref<1x256xf32, #tpu.memory_space<vmem>>, %arg6: memref<1x256xf32, #tpu.memory_space<vmem>>, %arg7: memref<256x128xf32, #tpu.memory_space<vmem>>, %arg8: memref<1x128xf32, #tpu.memory_space<vmem>>, %arg9: memref<1x128xf32, #tpu.memory_space<vmem>>, %arg10: memref<1x128xf32, #tpu.memory_space<vmem>>, %arg11: memref<128x64xf32, #tpu.memory_space<vmem>>, %arg12: memref<1x64xf32, #tpu.memory_space<vmem>>, %arg13: memref<1x64xf32, #tpu.memory_space<vmem>>, %arg14: memref<1x64xf32, #tpu.memory_space<vmem>>, %arg15: memref<64x1xf32, #tpu.memory_space<vmem>>, %arg16: memref<1x1xf32, #tpu.memory_space<vmem>>, %arg17: memref<2048xf32, #tpu.memory_space<vmem>>) attributes {dimension_semantics = [#tpu.dimension_semantics<arbitrary>], iteration_bounds = array<i64: 4>, scalar_prefetch = 0 : i64, scratch_operands = 0 : i64, tpu.core_type = #tpu.core_type<tc>, window_params = [{transform_indices = @transform_0, window_bounds = array<i64: 2048, 128>}, {transform_indices = @transform_1, window_bounds = array<i64: 2048, 128>}, {pipeline_mode = #tpu.pipeline_mode<synchronous>, transform_indices = @transform_2, window_bounds = array<i64: 128, 256>}, {pipeline_mode = #tpu.pipeline_mode<synchronous>, transform_indices = @transform_3, window_bounds = array<i64: 1, 256>}, {pipeline_mode = #tpu.pipeline_mode<synchronous>, transform_indices = @transform_4, window_bounds = array<i64: 1, 256>}, {pipeline_mode = #tpu.pipeline_mode<synchronous>, transform_indices = @transform_5, window_bounds = array<i64: 1, 256>}, {pipeline_mode = #tpu.pipeline_mode<synchronous>, transform_indices = @transform_6, window_bounds = array<i64: 256, 128>}, {pipeline_mode = #tpu.pipeline_mode<synchronous>, transform_indices = @transform_7, window_bounds = array<i64: 1, 128>}, {pipeline_mode = #tpu.pipeline_mode<synchronous>, transform_indices = @transform_8, window_bounds = array<i64: 1, 128>}, {pipeline_mode = #tpu.pipeline_mode<synchronous>, transform_indices = @transform_9, window_bounds = array<i64: 1, 128>}, {pipeline_mode = #tpu.pipeline_mode<synchronous>, transform_indices = @transform_10, window_bounds = array<i64: 128, 64>}, {pipeline_mode = #tpu.pipeline_mode<synchronous>, transform_indices = @transform_11, window_bounds = array<i64: 1, 64>}, {pipeline_mode = #tpu.pipeline_mode<synchronous>, transform_indices = @transform_12, window_bounds = array<i64: 1, 64>}, {pipeline_mode = #tpu.pipeline_mode<synchronous>, transform_indices = @transform_13, window_bounds = array<i64: 1, 64>}, {pipeline_mode = #tpu.pipeline_mode<synchronous>, transform_indices = @transform_14, window_bounds = array<i64: 64, 1>}, {pipeline_mode = #tpu.pipeline_mode<synchronous>, transform_indices = @transform_15, window_bounds = array<i64: 1, 1>}, {transform_indices = @transform_16, window_bounds = array<i64: 2048>}]} {
    %get3A = arith.constant 0 : index
    %get3A_0 = arith.constant 0 : index
    %get3A_1 = vector.load %arg1[%get3A, %get3A_0] : memref<2048x128xf32, #tpu.memory_space<vmem>>, vector<2048x64xf32>
    %get3A_2 = arith.constant 0 : index
    %get3A_3 = arith.constant 64 : index
    %get3A_4 = vector.load %arg2[%get3A_2, %get3A_3] : memref<2048x128xf32, #tpu.memory_space<vmem>>, vector<2048x64xf32>
    %concatenate3A = tpu.concatenate %get3A_1, %get3A_4 in 1 : vector<2048x64xf32>, vector<2048x64xf32> -> vector<2048x128xf32>
    %get3A_5 = arith.constant 0 : index
    %get3A_6 = arith.constant 0 : index
    %get3A_7 = vector.load %arg3[%get3A_5, %get3A_6] : memref<128x256xf32, #tpu.memory_space<vmem>>, vector<128x256xf32>
    %dot_general3A = arith.constant dense<0.000000e+00> : vector<2048x256xf32>
    %dot_general3A_8 = tpu.matmul %concatenate3A, %get3A_7, %dot_general3A {dimension_numbers = #tpu.dot_dimension_numbers<[1], [0], [0], [1], [0, 0, 1, 1], [], []>, transpose_lhs_hint = false} : vector<2048x128xf32>, vector<128x256xf32>, vector<2048x256xf32> -> vector<2048x256xf32>
    %get3A_9 = arith.constant 0 : index
    %get3A_10 = arith.constant 0 : index
    %get3A_11 = vector.load %arg4[%get3A_9, %get3A_10] : memref<1x256xf32, #tpu.memory_space<vmem>>, vector<1x256xf32>
    %add3A = vector.broadcast %get3A_11 : vector<1x256xf32> to vector<2048x256xf32>
    %add3A_12 = arith.addf %dot_general3A_8, %add3A : vector<2048x256xf32>
    %get3A_13 = arith.constant 0 : index
    %get3A_14 = arith.constant 0 : index
    %get3A_15 = vector.load %arg5[%get3A_13, %get3A_14] : memref<1x256xf32, #tpu.memory_space<vmem>>, vector<1x256xf32>
    %get3A_16 = arith.constant 0 : index
    %get3A_17 = arith.constant 0 : index
    %get3A_18 = vector.load %arg6[%get3A_16, %get3A_17] : memref<1x256xf32, #tpu.memory_space<vmem>>, vector<1x256xf32>
    %reduce_sum3A = arith.constant dense<0.000000e+00> : vector<2048xf32>
    %reduce_sum3A_19 = vector.multi_reduction <add>, %add3A_12, %reduce_sum3A [1] : vector<2048x256xf32> to vector<2048xf32>
    %broadcast_in_dim3A = vector.shape_cast %reduce_sum3A_19 : vector<2048xf32> to vector<2048x1xf32>
    %div3A = arith.constant 2.560000e+02 : f32
    %div3A_20 = vector.broadcast %div3A : f32 to vector<2048x1xf32>
    %div3A_21 = arith.divf %broadcast_in_dim3A, %div3A_20 : vector<2048x1xf32>
    %sub3A = vector.broadcast %div3A_21 : vector<2048x1xf32> to vector<2048x256xf32>
    %sub3A_22 = arith.subf %add3A_12, %sub3A : vector<2048x256xf32>
    %integer_pow3A = arith.mulf %sub3A_22, %sub3A_22 : vector<2048x256xf32>
    %reduce_sum3A_23 = arith.constant dense<0.000000e+00> : vector<2048xf32>
    %reduce_sum3A_24 = vector.multi_reduction <add>, %integer_pow3A, %reduce_sum3A_23 [1] : vector<2048x256xf32> to vector<2048xf32>
    %broadcast_in_dim3A_25 = vector.shape_cast %reduce_sum3A_24 : vector<2048xf32> to vector<2048x1xf32>
    %div3A_26 = arith.constant 2.560000e+02 : f32
    %div3A_27 = vector.broadcast %div3A_26 : f32 to vector<2048x1xf32>
    %div3A_28 = arith.divf %broadcast_in_dim3A_25, %div3A_27 : vector<2048x1xf32>
    %sub3A_29 = vector.broadcast %div3A_21 : vector<2048x1xf32> to vector<2048x256xf32>
    %sub3A_30 = arith.subf %add3A_12, %sub3A_29 : vector<2048x256xf32>
    %add3A_31 = arith.constant 9.99999974E-6 : f32
    %add3A_32 = vector.broadcast %add3A_31 : f32 to vector<2048x1xf32>
    %add3A_33 = arith.addf %div3A_28, %add3A_32 : vector<2048x1xf32>
    %sqrt3A = math.sqrt %add3A_33 : vector<2048x1xf32>
    %div3A_34 = vector.broadcast %sqrt3A : vector<2048x1xf32> to vector<2048x256xf32>
    %div3A_35 = arith.divf %sub3A_30, %div3A_34 : vector<2048x256xf32>
    %mul3A = vector.broadcast %get3A_15 : vector<1x256xf32> to vector<2048x256xf32>
    %mul3A_36 = arith.mulf %div3A_35, %mul3A : vector<2048x256xf32>
    %add3A_37 = vector.broadcast %get3A_18 : vector<1x256xf32> to vector<2048x256xf32>
    %add3A_38 = arith.addf %mul3A_36, %add3A_37 : vector<2048x256xf32>
    %max3A = arith.constant 0.000000e+00 : f32
    %max3A_39 = vector.broadcast %max3A : f32 to vector<2048x256xf32>
    %max3A_40 = arith.maximumf %add3A_38, %max3A_39 : vector<2048x256xf32>
    %get3A_41 = arith.constant 0 : index
    %get3A_42 = arith.constant 0 : index
    %get3A_43 = vector.load %arg7[%get3A_41, %get3A_42] : memref<256x128xf32, #tpu.memory_space<vmem>>, vector<256x128xf32>
    %dot_general3A_44 = arith.constant dense<0.000000e+00> : vector<2048x128xf32>
    %dot_general3A_45 = tpu.matmul %max3A_40, %get3A_43, %dot_general3A_44 {dimension_numbers = #tpu.dot_dimension_numbers<[1], [0], [0], [1], [0, 0, 1, 1], [], []>, transpose_lhs_hint = false} : vector<2048x256xf32>, vector<256x128xf32>, vector<2048x128xf32> -> vector<2048x128xf32>
    %get3A_46 = arith.constant 0 : index
    %get3A_47 = arith.constant 0 : index
    %get3A_48 = vector.load %arg8[%get3A_46, %get3A_47] : memref<1x128xf32, #tpu.memory_space<vmem>>, vector<1x128xf32>
    %add3A_49 = vector.broadcast %get3A_48 : vector<1x128xf32> to vector<2048x128xf32>
    %add3A_50 = arith.addf %dot_general3A_45, %add3A_49 : vector<2048x128xf32>
    %get3A_51 = arith.constant 0 : index
    %get3A_52 = arith.constant 0 : index
    %get3A_53 = vector.load %arg9[%get3A_51, %get3A_52] : memref<1x128xf32, #tpu.memory_space<vmem>>, vector<1x128xf32>
    %get3A_54 = arith.constant 0 : index
    %get3A_55 = arith.constant 0 : index
    %get3A_56 = vector.load %arg10[%get3A_54, %get3A_55] : memref<1x128xf32, #tpu.memory_space<vmem>>, vector<1x128xf32>
    %reduce_sum3A_57 = arith.constant dense<0.000000e+00> : vector<2048xf32>
    %reduce_sum3A_58 = vector.multi_reduction <add>, %add3A_50, %reduce_sum3A_57 [1] : vector<2048x128xf32> to vector<2048xf32>
    %broadcast_in_dim3A_59 = vector.shape_cast %reduce_sum3A_58 : vector<2048xf32> to vector<2048x1xf32>
    %div3A_60 = arith.constant 1.280000e+02 : f32
    %div3A_61 = vector.broadcast %div3A_60 : f32 to vector<2048x1xf32>
    %div3A_62 = arith.divf %broadcast_in_dim3A_59, %div3A_61 : vector<2048x1xf32>
    %sub3A_63 = vector.broadcast %div3A_62 : vector<2048x1xf32> to vector<2048x128xf32>
    %sub3A_64 = arith.subf %add3A_50, %sub3A_63 : vector<2048x128xf32>
    %integer_pow3A_65 = arith.mulf %sub3A_64, %sub3A_64 : vector<2048x128xf32>
    %reduce_sum3A_66 = arith.constant dense<0.000000e+00> : vector<2048xf32>
    %reduce_sum3A_67 = vector.multi_reduction <add>, %integer_pow3A_65, %reduce_sum3A_66 [1] : vector<2048x128xf32> to vector<2048xf32>
    %broadcast_in_dim3A_68 = vector.shape_cast %reduce_sum3A_67 : vector<2048xf32> to vector<2048x1xf32>
    %div3A_69 = arith.constant 1.280000e+02 : f32
    %div3A_70 = vector.broadcast %div3A_69 : f32 to vector<2048x1xf32>
    %div3A_71 = arith.divf %broadcast_in_dim3A_68, %div3A_70 : vector<2048x1xf32>
    %sub3A_72 = vector.broadcast %div3A_62 : vector<2048x1xf32> to vector<2048x128xf32>
    %sub3A_73 = arith.subf %add3A_50, %sub3A_72 : vector<2048x128xf32>
    %add3A_74 = arith.constant 9.99999974E-6 : f32
    %add3A_75 = vector.broadcast %add3A_74 : f32 to vector<2048x1xf32>
    %add3A_76 = arith.addf %div3A_71, %add3A_75 : vector<2048x1xf32>
    %sqrt3A_77 = math.sqrt %add3A_76 : vector<2048x1xf32>
    %div3A_78 = vector.broadcast %sqrt3A_77 : vector<2048x1xf32> to vector<2048x128xf32>
    %div3A_79 = arith.divf %sub3A_73, %div3A_78 : vector<2048x128xf32>
    %mul3A_80 = vector.broadcast %get3A_53 : vector<1x128xf32> to vector<2048x128xf32>
    %mul3A_81 = arith.mulf %div3A_79, %mul3A_80 : vector<2048x128xf32>
    %add3A_82 = vector.broadcast %get3A_56 : vector<1x128xf32> to vector<2048x128xf32>
    %add3A_83 = arith.addf %mul3A_81, %add3A_82 : vector<2048x128xf32>
    %max3A_84 = arith.constant 0.000000e+00 : f32
    %max3A_85 = vector.broadcast %max3A_84 : f32 to vector<2048x128xf32>
    %max3A_86 = arith.maximumf %add3A_83, %max3A_85 : vector<2048x128xf32>
    %get3A_87 = arith.constant 0 : index
    %get3A_88 = arith.constant 0 : index
    %get3A_89 = vector.load %arg11[%get3A_87, %get3A_88] : memref<128x64xf32, #tpu.memory_space<vmem>>, vector<128x64xf32>
    %dot_general3A_90 = arith.constant dense<0.000000e+00> : vector<2048x64xf32>
    %dot_general3A_91 = tpu.matmul %max3A_86, %get3A_89, %dot_general3A_90 {dimension_numbers = #tpu.dot_dimension_numbers<[1], [0], [0], [1], [0, 0, 1, 1], [], []>, transpose_lhs_hint = false} : vector<2048x128xf32>, vector<128x64xf32>, vector<2048x64xf32> -> vector<2048x64xf32>
    %get3A_92 = arith.constant 0 : index
    %get3A_93 = arith.constant 0 : index
    %get3A_94 = vector.load %arg12[%get3A_92, %get3A_93] : memref<1x64xf32, #tpu.memory_space<vmem>>, vector<1x64xf32>
    %add3A_95 = vector.broadcast %get3A_94 : vector<1x64xf32> to vector<2048x64xf32>
    %add3A_96 = arith.addf %dot_general3A_91, %add3A_95 : vector<2048x64xf32>
    %get3A_97 = arith.constant 0 : index
    %get3A_98 = arith.constant 0 : index
    %get3A_99 = vector.load %arg13[%get3A_97, %get3A_98] : memref<1x64xf32, #tpu.memory_space<vmem>>, vector<1x64xf32>
    %get3A_100 = arith.constant 0 : index
    %get3A_101 = arith.constant 0 : index
    %get3A_102 = vector.load %arg14[%get3A_100, %get3A_101] : memref<1x64xf32, #tpu.memory_space<vmem>>, vector<1x64xf32>
    %reduce_sum3A_103 = arith.constant dense<0.000000e+00> : vector<2048xf32>
    %reduce_sum3A_104 = vector.multi_reduction <add>, %add3A_96, %reduce_sum3A_103 [1] : vector<2048x64xf32> to vector<2048xf32>
    %broadcast_in_dim3A_105 = vector.shape_cast %reduce_sum3A_104 : vector<2048xf32> to vector<2048x1xf32>
    %div3A_106 = arith.constant 6.400000e+01 : f32
    %div3A_107 = vector.broadcast %div3A_106 : f32 to vector<2048x1xf32>
    %div3A_108 = arith.divf %broadcast_in_dim3A_105, %div3A_107 : vector<2048x1xf32>
    %sub3A_109 = vector.broadcast %div3A_108 : vector<2048x1xf32> to vector<2048x64xf32>
    %sub3A_110 = arith.subf %add3A_96, %sub3A_109 : vector<2048x64xf32>
    %integer_pow3A_111 = arith.mulf %sub3A_110, %sub3A_110 : vector<2048x64xf32>
    %reduce_sum3A_112 = arith.constant dense<0.000000e+00> : vector<2048xf32>
    %reduce_sum3A_113 = vector.multi_reduction <add>, %integer_pow3A_111, %reduce_sum3A_112 [1] : vector<2048x64xf32> to vector<2048xf32>
    %broadcast_in_dim3A_114 = vector.shape_cast %reduce_sum3A_113 : vector<2048xf32> to vector<2048x1xf32>
    %div3A_115 = arith.constant 6.400000e+01 : f32
    %div3A_116 = vector.broadcast %div3A_115 : f32 to vector<2048x1xf32>
    %div3A_117 = arith.divf %broadcast_in_dim3A_114, %div3A_116 : vector<2048x1xf32>
    %sub3A_118 = vector.broadcast %div3A_108 : vector<2048x1xf32> to vector<2048x64xf32>
    %sub3A_119 = arith.subf %add3A_96, %sub3A_118 : vector<2048x64xf32>
    %add3A_120 = arith.constant 9.99999974E-6 : f32
    %add3A_121 = vector.broadcast %add3A_120 : f32 to vector<2048x1xf32>
    %add3A_122 = arith.addf %div3A_117, %add3A_121 : vector<2048x1xf32>
    %sqrt3A_123 = math.sqrt %add3A_122 : vector<2048x1xf32>
    %div3A_124 = vector.broadcast %sqrt3A_123 : vector<2048x1xf32> to vector<2048x64xf32>
    %div3A_125 = arith.divf %sub3A_119, %div3A_124 : vector<2048x64xf32>
    %mul3A_126 = vector.broadcast %get3A_99 : vector<1x64xf32> to vector<2048x64xf32>
    %mul3A_127 = arith.mulf %div3A_125, %mul3A_126 : vector<2048x64xf32>
    %add3A_128 = vector.broadcast %get3A_102 : vector<1x64xf32> to vector<2048x64xf32>
    %add3A_129 = arith.addf %mul3A_127, %add3A_128 : vector<2048x64xf32>
    %max3A_130 = arith.constant 0.000000e+00 : f32
    %max3A_131 = vector.broadcast %max3A_130 : f32 to vector<2048x64xf32>
    %max3A_132 = arith.maximumf %add3A_129, %max3A_131 : vector<2048x64xf32>
    %get3A_133 = arith.constant 0 : index
    %get3A_134 = arith.constant 0 : index
    %get3A_135 = vector.load %arg15[%get3A_133, %get3A_134] : memref<64x1xf32, #tpu.memory_space<vmem>>, vector<64x1xf32>
    %dot_general3A_136 = arith.constant dense<0.000000e+00> : vector<2048x1xf32>
    %dot_general3A_137 = tpu.matmul %max3A_132, %get3A_135, %dot_general3A_136 {dimension_numbers = #tpu.dot_dimension_numbers<[1], [0], [0], [1], [0, 0, 1, 1], [], []>, transpose_lhs_hint = false} : vector<2048x64xf32>, vector<64x1xf32>, vector<2048x1xf32> -> vector<2048x1xf32>
    %get3A_138 = arith.constant 0 : index
    %get3A_139 = arith.constant 0 : index
    %get3A_140 = vector.load %arg16[%get3A_138, %get3A_139] : memref<1x1xf32, #tpu.memory_space<vmem>>, vector<1x1xf32>
    %get3A_141 = vector.extract %get3A_140[0, 0] : f32 from vector<1x1xf32>
    %add3A_142 = vector.broadcast %get3A_141 : f32 to vector<2048x1xf32>
    %add3A_143 = arith.addf %dot_general3A_137, %add3A_142 : vector<2048x1xf32>
    %reshape3A = vector.shape_cast %add3A_143 : vector<2048x1xf32> to vector<2048xf32>
    %swap3A = arith.constant 0 : index
    %swap3A_144 = vector.load %arg17[%swap3A] : memref<2048xf32, #tpu.memory_space<vmem>>, vector<2048xf32>
    tpu.vector_store %arg17[%swap3A], %reshape3A {strides = array<i32>} : memref<2048xf32, #tpu.memory_space<vmem>>, vector<2048xf32>,
    return
  }
  func.func @transform_0(%arg0: i32) -> (i32, i32) {
    %c0_i32 = arith.constant 0 : i32
    %c0_i32_0 = arith.constant 0 : i32
    return %arg0, %c0_i32 : i32, i32
  }
  func.func @transform_1(%arg0: i32) -> (i32, i32) {
    %c0_i32 = arith.constant 0 : i32
    %c0_i32_0 = arith.constant 0 : i32
    return %arg0, %c0_i32 : i32, i32
  }
  func.func @transform_2(%arg0: i32) -> (i32, i32) {
    %c0_i32 = arith.constant 0 : i32
    %c0_i32_0 = arith.constant 0 : i32
    %c0_i32_1 = arith.constant 0 : i32
    return %c0_i32, %c0_i32_0 : i32, i32
  }
  func.func @transform_3(%arg0: i32) -> (i32, i32) {
    %c0_i32 = arith.constant 0 : i32
    %c0_i32_0 = arith.constant 0 : i32
    %c0_i32_1 = arith.constant 0 : i32
    return %c0_i32, %c0_i32_0 : i32, i32
  }
  func.func @transform_4(%arg0: i32) -> (i32, i32) {
    %c0_i32 = arith.constant 0 : i32
    %c0_i32_0 = arith.constant 0 : i32
    %c0_i32_1 = arith.constant 0 : i32
    return %c0_i32, %c0_i32_0 : i32, i32
  }
  func.func @transform_5(%arg0: i32) -> (i32, i32) {
    %c0_i32 = arith.constant 0 : i32
    %c0_i32_0 = arith.constant 0 : i32
    %c0_i32_1 = arith.constant 0 : i32
    return %c0_i32, %c0_i32_0 : i32, i32
  }
  func.func @transform_6(%arg0: i32) -> (i32, i32) {
    %c0_i32 = arith.constant 0 : i32
    %c0_i32_0 = arith.constant 0 : i32
    %c0_i32_1 = arith.constant 0 : i32
    return %c0_i32, %c0_i32_0 : i32, i32
  }
  func.func @transform_7(%arg0: i32) -> (i32, i32) {
    %c0_i32 = arith.constant 0 : i32
    %c0_i32_0 = arith.constant 0 : i32
    %c0_i32_1 = arith.constant 0 : i32
    return %c0_i32, %c0_i32_0 : i32, i32
  }
  func.func @transform_8(%arg0: i32) -> (i32, i32) {
    %c0_i32 = arith.constant 0 : i32
    %c0_i32_0 = arith.constant 0 : i32
    %c0_i32_1 = arith.constant 0 : i32
    return %c0_i32, %c0_i32_0 : i32, i32
  }
  func.func @transform_9(%arg0: i32) -> (i32, i32) {
    %c0_i32 = arith.constant 0 : i32
    %c0_i32_0 = arith.constant 0 : i32
    %c0_i32_1 = arith.constant 0 : i32
    return %c0_i32, %c0_i32_0 : i32, i32
  }
  func.func @transform_10(%arg0: i32) -> (i32, i32) {
    %c0_i32 = arith.constant 0 : i32
    %c0_i32_0 = arith.constant 0 : i32
    %c0_i32_1 = arith.constant 0 : i32
    return %c0_i32, %c0_i32_0 : i32, i32
  }
  func.func @transform_11(%arg0: i32) -> (i32, i32) {
    %c0_i32 = arith.constant 0 : i32
    %c0_i32_0 = arith.constant 0 : i32
    %c0_i32_1 = arith.constant 0 : i32
    return %c0_i32, %c0_i32_0 : i32, i32
  }
  func.func @transform_12(%arg0: i32) -> (i32, i32) {
    %c0_i32 = arith.constant 0 : i32
    %c0_i32_0 = arith.constant 0 : i32
    %c0_i32_1 = arith.constant 0 : i32
    return %c0_i32, %c0_i32_0 : i32, i32
  }
  func.func @transform_13(%arg0: i32) -> (i32, i32) {
    %c0_i32 = arith.constant 0 : i32
    %c0_i32_0 = arith.constant 0 : i32
    %c0_i32_1 = arith.constant 0 : i32
    return %c0_i32, %c0_i32_0 : i32, i32
  }
  func.func @transform_14(%arg0: i32) -> (i32, i32) {
    %c0_i32 = arith.constant 0 : i32
    %c0_i32_0 = arith.constant 0 : i32
    %c0_i32_1 = arith.constant 0 : i32
    return %c0_i32, %c0_i32_0 : i32, i32
  }
  func.func @transform_15(%arg0: i32) -> (i32, i32) {
    %c0_i32 = arith.constant 0 : i32
    %c0_i32_0 = arith.constant 0 : i32
    %c0_i32_1 = arith.constant 0 : i32
    return %c0_i32, %c0_i32_0 : i32, i32
  }
  func.func @transform_16(%arg0: i32) -> i32 {
    %c0_i32 = arith.constant 0 : i32
    return %arg0 : i32
  }
}

</mosaic_0001>

<sc_bundles>
// kernel: kernel.6.cloned.1.call-start
scs
__scs_entry_jumppad:
0x0: {  	(pc) =	sbr.rel $0x88, $3  }
0x1: {  	(tag) =	ssettag $0x0;
	lr =	simm.s32 $0x1  }
0x2: {  	[smem:$0x3F8F] =	sst lr;
	_ =	strace $0xD0000000  }
0x3: {  	_ = 	snop  }
0x4: {  	_ = 	snop  }
0x5: {  	_ = 	snop  }
0x6: {  	_ = 	snop  }
0x7: {  	_ = 	snop  }
__scs_overlays_trampoline_lowered:
0x8: {  	[smem:$0x3F9E] =	sst s0  }
0x9: {  	[smem:$0x3F9F] =	sst s1  }
0xa: {  	[smem:$0x3FA0] =	sst s2  }
0xb: {  	[smem:$0x3FA1] =	sst s3  }
0xc: {  	[smem:$0x3FA2] =	sst s4  }
0xd: {  	[smem:$0x3FA3] =	sst s5  }
0xe: {  	[smem:$0x3FA4] =	sst s6  }
0xf: {  	[smem:$0x3FA5] =	sst s7  }
0x10: {  	[smem:$0x3FA6] =	sst s8  }
0x11: {  	[smem:$0x3FA7] =	sst s9;
	s0 =	simm.s32 @!p0 $0x0  }
0x12: {  	s1 =	sld [smem:$0x3F8D];
	s0 =	simm.s32 @p0 $0x1  }
0x13: {  	[smem:$0x3FA8] =	sst s0;
	s0 =	simm.s32 @!p1 $0x0  }
0x14: {  	s2 =	sld [smem:$0x3F8C];
	s0 =	simm.s32 @p1 $0x1  }
0x15: {  	[smem:$0x3FA9] =	sst s0;
	s0 =	simm.s32 @!p2 $0x0  }
0x16: {  	s3 =	sld [smem:$0x3FDB];
	s0 =	simm.s32 @p2 $0x1  }
0x17: {  	s4 =	simm.s32 $0x1BF5;
	[smem:$0x3FAB] =	sst s0  }
0x18: {  	s0 =	sld [smem:$0x3F8E];
	_ =	swait.ge [sflag:s4], $0x0  }
0x19: {  	s7 =	sld [smem:$0x3F8F]  }
0x1a: {  	s8 =	sadd.s32 $0xFFFFE003, lr  }
0x1b: {  	s9 =	sadd.s32 $0xFFFFFEF7, lr;
	s5 =	simm.s32 $0xFFFFFFFF;
	p2 =	slt.u32 s8, $0xFFFFF086  }
0x1c: {  	p1 =	slt.u32 s9, $0xF7A;
	s5 =	simm.s32 @!p2 $0x0  }
0x1d: {  	s5 =	simm.s32 @p1 $0x1;
	p0 =	seq.s32 s7, s2  }
0x1e: {  	s7 =	smul.u32 @!p0 $0xF7A, s2;
	p2 =	seq.s32 @!p0 s5, $0x0  }
0x1f: {  	s9 =	smul.u32 $0xF7A, s1;
	s8 =	simm.s32 @!p0 $0x1BF5;
	p2 =	por !p2, p0  }
0x20: {  	[sflag:s8] =	ssyncset.s32 @!p0 $0xFFFFF086;
	s6 =	sadd.s32 @!p0 s3, s7;
	s7 =	simm.s32 @!p0 $0x108  }
0x21: {  	s3 =	sadd.s32 s3, s9;
	s6 =	sadd.s32 @!p0 $0x88, s6;
	s7 =	simm.s32 @p2 $0x1082  }
0x22: {  	[simem:s7], [sflag:s8] =	dma.local @!p0 [hbm:s6], $0xF7A  }
0x23: {  	s9 =	sor.u32 $0xD0000000, s2;
	s6 =	simm.s32 $0x108;
	_ =	swait.ge @!p0 [sflag:s8], $0x0  }
0x24: {  	s3 =	sadd.s32 $0x88, s3;
	s6 =	simm.s32 @!p1 $0x1082;
	[sflag:s4] =	ssyncset.s32 $0xFFFFF086  }
0x25: {  	[simem:s6], [sflag:s4] =	dma.local [hbm:s3], $0xF7A  }
0x26: {  	[smem:$0x3F8F] =	sst s1;
	(tag) =	ssettag s2;
	_ =	strace s9  }
0x27: {  	s1 =	sld [smem:$0x3F9F]  }
0x28: {  	s2 =	sld [smem:$0x3FA0]  }
0x29: {  	s4 =	sld [smem:$0x3FA2]  }
0x2a: {  	p0 =	seq.s32 s5, $0x0;
	s5 =	sld [smem:$0x3FA3]  }
0x2b: {  	s6 =	sld [smem:$0x3FA4]  }
0x2c: {  	s7 =	sld [smem:$0x3FA5]  }
0x2d: {  	s3 =	simm.s32 $0x108;
	s8 =	sld [smem:$0x3FA6]  }
0x2e: {  	s3 =	simm.s32 @!p0 $0x1082;
	s9 =	sld [smem:$0x3FA7]  }
0x2f: {  	lr =	sadd.s32 s0, s3;
	s0 =	sld [smem:$0x3F9E]  }
0x30: {  	s3 =	sld [smem:$0x3FA1]  }
0x31: {  	[smem:$0x3FAA] =	sst s10  }
0x32: {  	s10 =	sld [smem:$0x3FA8];
	_ =	sdelay $0x3  }
0x33: {  	p0 =	seq.s32 s10, $0x1;
	s10 =	sld [smem:$0x3FAA];
	_ =	sdelay $0x3  }
0x34: {  	[smem:$0x3FAA] =	sst s10  }
0x35: {  	s10 =	sld [smem:$0x3FA9];
	_ =	sdelay $0x3  }
0x36: {  	p1 =	seq.s32 s10, $0x1;
	s10 =	sld [smem:$0x3FAA];
	_ =	sdelay $0x3  }
0x37: {  	[smem:$0x3FAA] =	sst s10  }
0x38: {  	s10 =	sld [smem:$0x3FAB]  }
0x39: {  	_ = 	snop;
	(pc) =	sbr.ind lr, $3  }
0x3a: {  	_ = 	snop  }
0x3b: {  	_ = 	snop  }
0x3c: {  	p2 =	seq.s32 s10, $0x1;
	s10 =	sld [smem:$0x3FAA]  }
0x3d: {  	_ =	shalt  }
0x3e: {  	_ =	shalt  }
0x3f: {  	_ =	shalt  }
0x40: {  	_ =	shalt  }
0x41: {  	_ =	shalt  }
0x42: {  	_ =	shalt  }
0x43: {  	_ =	shalt  }
0x44: {  	_ =	shalt  }
0x45: {  	_ =	shalt  }
0x46: {  	_ =	shalt  }
0x47: {  	_ =	shalt  }
0x48: {  	_ =	shalt  }
0x49: {  	_ =	shalt  }
0x4a: {  	_ =	shalt  }
0x4b: {  	_ =	shalt  }
0x4c: {  	_ =	shalt  }
0x4d: {  	_ =	shalt  }
0x4e: {  	_ =	shalt  }
0x4f: {  	_ =	shalt  }
0x50: {  	_ =	shalt  }
0x51: {  	_ =	shalt  }
0x52: {  	_ =	shalt  }
0x53: {  	_ =	shalt  }
0x54: {  	_ =	shalt  }
0x55: {  	_ =	shalt  }
0x56: {  	_ =	shalt  }
0x57: {  	_ =	shalt  }
0x58: {  	_ =	shalt  }
0x59: {  	_ =	shalt  }
0x5a: {  	_ =	shalt  }
0x5b: {  	_ =	shalt  }
0x5c: {  	_ =	shalt  }
0x5d: {  	_ =	shalt  }
0x5e: {  	_ =	shalt  }
0x5f: {  	_ =	shalt  }
0x60: {  	_ =	shalt  }
0x61: {  	_ =	shalt  }
0x62: {  	_ =	shalt  }
0x63: {  	_ =	shalt  }
0x64: {  	_ =	shalt  }
0x65: {  	_ =	shalt  }
0x66: {  	_ =	shalt  }
0x67: {  	_ =	shalt  }
0x68: {  	_ =	shalt  }
0x69: {  	_ =	shalt  }
0x6a: {  	_ =	shalt  }
0x6b: {  	_ =	shalt  }
0x6c: {  	_ =	shalt  }
0x6d: {  	_ =	shalt  }
0x6e: {  	_ =	shalt  }
0x6f: {  	_ =	shalt  }
0x70: {  	_ =	shalt  }
0x71: {  	_ =	shalt  }
0x72: {  	_ =	shalt  }
0x73: {  	_ =	shalt  }
0x74: {  	_ =	shalt  }
0x75: {  	_ =	shalt  }
0x76: {  	_ =	shalt  }
0x77: {  	_ =	shalt  }
0x78: {  	_ =	shalt  }
0x79: {  	_ =	shalt  }
0x7a: {  	_ =	shalt  }
0x7b: {  	_ =	shalt  }
0x7c: {  	_ =	shalt  }
0x7d: {  	_ =	shalt  }
0x7e: {  	_ =	shalt  }
0x7f: {  	_ =	shalt  }
0x80: {  	_ =	shalt  }
0x81: {  	_ =	shalt  }
0x82: {  	_ =	shalt  }
0x83: {  	_ =	shalt  }
0x84: {  	_ =	shalt  }
0x85: {  	_ =	shalt  }
0x86: {  	_ =	shalt  }
0x87: {  	_ =	shalt  }
.Lfunc_end0:
.L_simem_size_0:
called_computation_lowered:
.L_overlay_start_0:
0x88: {  	s2 =	sld [smem:$0x3FD9]  }
0x89: {  	s3 =	sld [smem:$0x3FFE];
	_ =	sdelay $0x1  }
0x8a: {  	s1 =	srdreg.scid  }
0x8b: {  	s0 =	sand.u32 $0x1, s1  }
0x8c: {  	s17 =	sshll.u32 s0, $0xA;
	s2 =	sadd.s32 s3, s2  }
0x8d: {  	s2 =	sadd.s32 s2, s17  }
0x8e: {  	[smem:$0x3FB6] =	sst s2  }
0x8f: {  	_ = 	snop  }
0x90: {  	s2 =	sld [smem:$0x3FD0];
	(tm) =	ssettm $0x1  }
0x91: {  	s18 =	sld [smem:$0x3FFB];
	_ =	sdelay $0x3  }
0x92: {  	_ =	strace s18  }
0x93: {  	s3 =	sld [smem:$0x3FFC];
	_ =	sdelay $0x3  }
0x94: {  	_ =	strace s3  }
0x95: {  	s3 =	sld [smem:$0x3FFD];
	_ =	sdelay $0x3  }
0x96: {  	_ =	strace s3  }
0x97: {  	_ =	strace $0x8FFFFFFF  }
0x98: {  	s19 =	sld [smem:$0x3FDB];
	_ =	sdelay $0x1  }
0x99: {  	s4 =	simm.s32 $_scs_section_size  }
0x9a: {  	s5 =	simm.s32 $_size__tile_overlayer_lowered;
	s6 =	simm.s32 $_tile_overlayer_lowered  }
0x9b: {  	s22 =	simm.s32 $0x1BFF;
	s21 =	sshll.u32 s6, $0x1;
	s3 =	sadd.s32 s4, s19  }
0x9c: {  	s7 =	simm.s32 $0x0;
	s20 =	sshll.u32 s5, $0x1;
	s5 =	sadd.s32 s21, s3  }
0x9d: {  	[timem:s7], [sflag:s22] =	dma.local [hbm:s5], s20  }
0x9e: {  	_ =	swait.ge [sflag:s22], s20  }
0x9f: {  	s4 =	ssub.s32 $0x0, s20;
	[sflag:s22] =	ssyncset.done $0x0  }
0xa0: {  	[sflag:s22] =	ssyncadd.s32 s4;
	_ =	sdelay $0x1  }
0xa1: {  	s23 =	simm.s32 $0x1B8B  }
0xa2: {  	_ =	swait.ge [sflag:s23], $0x1  }
0xa3: {  	[sflag:s23] =	ssyncset.done $0x0  }
0xa4: {  	s25 =	simm.s32 $0x1B8E;
	s24 =	sld [smem:$0x3FFE];
	[sflag:s23] =	ssyncadd.s32 $0xFFFFFFFF  }
0xa5: {  	s26 =	simm.s32 $execute0_lowered;
	[smem:$0x3FD2] =	sst s25  }
0xa6: {  	s5 =	sshll.u32 s26, $0x1;
	_ =	strace $0x80000046;
	[dreg:$0x1] =	wrdreg $0xFFFFFFFF  }
0xa7: {  	s28 =	simm.s32 $_size_execute0_lowered;
	s3 =	sadd.s32 s3, s5;
	[dreg:$0x0] =	wrdreg $0x0  }
0xa8: {  	s5 =	sshll.u32 s28, $0x1;
	[dreg:$0x2] =	wrdreg s3  }
0xa9: {  	[dreg:$0x3] =	wrdreg s5  }
0xaa: {  	[dreg:$0x4] =	wrdreg $0xC0  }
0xab: {  	_ =	task [dreg:s7], $0x5FFFF  }
0xac: {  	[dreg:$0x1] =	wrdreg $0xFFFFFFFF  }
0xad: {  	[dreg:$0x0] =	wrdreg $0x60  }
0xae: {  	[dreg:$0x2] =	wrdreg s24  }
0xaf: {  	[dreg:$0x3] =	wrdreg s2  }
0xb0: {  	[dreg:$0x4] =	wrdreg $0x9  }
0xb1: {  	_ =	task.clear_ibuf [dreg:s7], $0x5FFFF;
	_ =	strace $0x90000046  }
0xb2: {  	s29 =	simm.s32 $0x9;
	_ =	strace $0x80000048  }
0xb3: {  	_ =	swait.ge [sflag:s29], $0x1  }
0xb4: {  	[sflag:s29] =	ssyncadd.s32 $0xFFFFFFFF  }
0xb5: {  	_ =	strace $0x90000048  }
0xb6: {  	_ =	sfence  }
0xb7: {  	s30 =	sld [smem:$0x0];
	_ =	sdelay $0x2  }
0xb8: {  	s31 =	sshll.u32 s1, $0xD;
	s1 =	sshrl.u32 s1, $0x2  }
0xb9: {  	s3 =	sand.u32 $0x4000, s31;
	s1 =	sadd.s32 s1, s30  }
0xba: {  	s0 =	sor.u32 s3, s0;
	s1 =	sshll.u32 s1, $0x11  }
0xbb: {  	s0 =	sor.u32 s1, s0  }
0xbc: {  	s0 =	sadd.s32 $0x8F2B, s0  }
0xbd: {  	[sflag:s0] =	ssyncadd.remote.s32 $0x1  }
0xbe: {  	_ =	sfence.sel $0xFFFF  }
0xbf: {  	[dreg:$0x0] =	wrdreg $0xFFFFFFFF;
	(pc) =	sbr.abs _section_cstart, $3  }
0xc0: {  	[dreg:$0x1] =	wrdreg $0xFFFFFFFF  }
0xc1: {  	_ =	task.clear_ibuf [dreg:s7], $0x2FFFF;
	_ =	strace $0x9FFFFFFF  }
0xc2: {  	(tm) =	ssettm $0x7FFFFFFF  }
0xc3: {  	_ =	shalt  }
tec
execute0_lowered:
.L_overlay_start_1:
0x0: {  	(tag) =	ssettag $0x1  }
0x1: {  	s1 =	srdreg.scid  }
0x2: {  	s0 =	stileid.u32;
	s14 =	sand.u32 $0x1, s1  }
0x3: {  	s12 =	rddreg [dreg:$0x0];
	s30 =	sshll.u32 s0, $0x9;
	s2 =	sshll.u32 s14, $0x8  }
0x4: {  	s5 =	rddreg [dreg:$0x1];
	s13 =	sor.u32 s2, s30  }
0x5: {  	s1 =	rddreg [dreg:$0x2];
	s2 =	simm.s32 $0x0;
	s6 =	sshrl.u32 s13, $0x3  }
0x6: {  	[smem:$0x7FF] =	sst s2;
	s3 =	sadd.s32 s6, s12  }
0x7: {  	_ =	strace $0x80000047;
	s4 =	sadd.s32 $0x312C00, s3;
	s3 =	simm.s32 $0x2  }
0x8: {  	[tilespmem:s2], [sflag:$0x2] =	stream.linear.gather [hbm4b:s4+s2], $0x100, $0x38;
	[tilespmem:$0x8200] =	vst v63  }
0x9: {  	_ =	swait.ge [sflag:s3], $0x100  }
0xa: {  	[sflag:s3] =	ssyncset.done $0x0  }
0xb: {  	s5 =	sadd.s32 s5, s6;
	s6 =	simm.s32 $0x100;
	[sflag:s3] =	ssyncadd.s32 $0xFFFFFF00  }
0xc: {  	[tilespmem:s6], [sflag:$0x2] =	stream.linear.gather [hbm4b:s5+s2], $0x100, $0x38;
	[tilespmem:$0x8200] =	vst v63  }
0xd: {  	_ =	swait.ge [sflag:s3], $0x100  }
0xe: {  	s8 =	simm.s32 $0x80;
	[sflag:s3] =	ssyncset.done $0x0  }
0xf: {  	s9 =	simm.s32 $0x200;
	s7 =	sadd.s32 $0x313800, s12;
	[sflag:s3] =	ssyncadd.s32 $0xFFFFFF00  }
0x10: {  	[tilespmem:s9], [sflag:$0x1] =	stream.indirect.gather [hbm4b:s7+s8], $0x80, s2, s8, $0xb8;
	[tilespmem:$0x8200] =	vst v63  }
0x11: {  	s10 =	simm.s32 $0x4200;
	s11 =	simm.s32 $0x1  }
0x12: {  	[tilespmem:s10], [sflag:$0x1] =	stream.indirect.gather [hbm4b:s7+s8], $0x80, s8, s8, $0xb8;
	[tilespmem:$0x8200] =	vst v63  }
0x13: {  	_ =	swait.ge [sflag:s11], $0x4000  }
0x14: {  	[sflag:s11] =	ssyncset.done $0x0  }
0x15: {  	[sflag:s11] =	ssyncadd.s32 $0xFFFFC000  }
0x16: {  	s13 =	sshll.u32 s13, $0x4;
	_ =	swait.ge [sflag:s11], $0x4000  }
0x17: {  	s15 =	sadd.s32 s13, s12;
	[sflag:s11] =	ssyncset.done $0x0  }
0x18: {  	s12 =	sadd.s32 $0x5400, s15;
	[sflag:s11] =	ssyncadd.s32 $0xFFFFC000  }
0x19: {  	[hbm4b:s12+s2] =	stream.linear.scatter [tilespmem:s9], [sflag:$0x2], $0x8000, $0x38;
	[tilespmem:$0x8200] =	vst v63  }
0x1a: {  	_ =	swait.ge [sflag:s3], $0x8000  }
0x1b: {  	[sflag:s3] =	ssyncset.done $0x0  }
0x1c: {  	[sflag:s3] =	ssyncadd.s32 $0xFFFF8000  }
0x1d: {  	[tilespmem:s9], [sflag:$0x1] =	stream.indirect.gather [hbm4b:s7+s8], $0x80, s6, s8, $0xb8;
	[tilespmem:$0x8200] =	vst v63  }
0x1e: {  	s14 =	ssub.s32 $0x2, s14;
	s13 =	simm.s32 $0x180  }
0x1f: {  	[tilespmem:s10], [sflag:$0x1] =	stream.indirect.gather [hbm4b:s7+s8], $0x80, s13, s8, $0xb8;
	[tilespmem:$0x8200] =	vst v63  }
0x20: {  	s16 =	sshrl.u32 s14, $0x1;
	_ =	swait.ge [sflag:s11], $0x4000  }
0x21: {  	s16 =	ssub.s32 s14, s16;
	[sflag:s11] =	ssyncset.done $0x0  }
0x22: {  	s31 =	smax.u32 s16, $0x1;
	[sflag:s11] =	ssyncadd.s32 $0xFFFFC000  }
0x23: {  	p0 =	sne.s32 s31, $0x1;
	_ =	swait.ge [sflag:s11], $0x4000  }
.Ltmp0:
0x24: {  	[sflag:s11] =	ssyncset.done $0x0;
	(pc) =	sbr.rel @!p0 .LBB2_2-.Ltmp0, $4  }
0x25: {  	s14 =	sadd.s32 $0x25400, s15;
	[sflag:s11] =	ssyncadd.s32 $0xFFFFC000  }
0x26: {  	[hbm4b:s14+s2] =	stream.linear.scatter [tilespmem:s9], [sflag:$0x2], $0x8000, $0x38;
	[tilespmem:$0x8200] =	vst v63  }
0x27: {  	_ =	swait.ge [sflag:s3], $0x8000  }
0x28: {  	s15 =	sadd.s32 $0xFFFFFFFF, s31;
	[sflag:s3] =	ssyncset.done $0x0  }
.LBB2_1:
0x29: {  	p0 =	sne.s32 s15, $0x1;
	s15 =	sadd.s32 $0xFFFFFFFF, s15;
	[sflag:s3] =	ssyncadd.s32 $0xFFFF8000  }
0x2a: {  	[tilespmem:s2], [sflag:$0x2] =	stream.linear.gather [hbm4b:s4+s2], $0x100, $0x38;
	[tilespmem:$0x8200] =	vst v63  }
0x2b: {  	_ =	swait.ge [sflag:s3], $0x100  }
0x2c: {  	[sflag:s3] =	ssyncset.done $0x0  }
0x2d: {  	[sflag:s3] =	ssyncadd.s32 $0xFFFFFF00  }
0x2e: {  	[tilespmem:s6], [sflag:$0x2] =	stream.linear.gather [hbm4b:s5+s2], $0x100, $0x38;
	[tilespmem:$0x8200] =	vst v63  }
0x2f: {  	_ =	swait.ge [sflag:s3], $0x100  }
0x30: {  	[sflag:s3] =	ssyncset.done $0x0  }
0x31: {  	[sflag:s3] =	ssyncadd.s32 $0xFFFFFF00  }
0x32: {  	[tilespmem:s9], [sflag:$0x1] =	stream.indirect.gather [hbm4b:s7+s8], $0x80, s2, s8, $0xb8;
	[tilespmem:$0x8200] =	vst v63  }
0x33: {  	_ = 	snop  }
0x34: {  	[tilespmem:s10], [sflag:$0x1] =	stream.indirect.gather [hbm4b:s7+s8], $0x80, s8, s8, $0xb8;
	[tilespmem:$0x8200] =	vst v63  }
0x35: {  	_ =	swait.ge [sflag:s11], $0x4000  }
0x36: {  	[sflag:s11] =	ssyncset.done $0x0  }
0x37: {  	[sflag:s11] =	ssyncadd.s32 $0xFFFFC000  }
0x38: {  	_ =	swait.ge [sflag:s11], $0x4000  }
0x39: {  	[sflag:s11] =	ssyncset.done $0x0  }
0x3a: {  	[sflag:s11] =	ssyncadd.s32 $0xFFFFC000  }
0x3b: {  	[hbm4b:s12+s2] =	stream.linear.scatter [tilespmem:s9], [sflag:$0x2], $0x8000, $0x38;
	[tilespmem:$0x8200] =	vst v63  }
0x3c: {  	_ =	swait.ge [sflag:s3], $0x8000  }
0x3d: {  	[sflag:s3] =	ssyncset.done $0x0  }
0x3e: {  	[sflag:s3] =	ssyncadd.s32 $0xFFFF8000  }
0x3f: {  	[tilespmem:s9], [sflag:$0x1] =	stream.indirect.gather [hbm4b:s7+s8], $0x80, s6, s8, $0xb8;
	[tilespmem:$0x8200] =	vst v63  }
0x40: {  	_ = 	snop  }
0x41: {  	[tilespmem:s10], [sflag:$0x1] =	stream.indirect.gather [hbm4b:s7+s8], $0x80, s13, s8, $0xb8;
	[tilespmem:$0x8200] =	vst v63  }
0x42: {  	_ =	swait.ge [sflag:s11], $0x4000  }
0x43: {  	[sflag:s11] =	ssyncset.done $0x0  }
0x44: {  	[sflag:s11] =	ssyncadd.s32 $0xFFFFC000  }
0x45: {  	_ =	swait.ge [sflag:s11], $0x4000  }
.Ltmp1:
0x46: {  	[sflag:s11] =	ssyncset.done $0x0;
	(pc) =	sbr.rel @p0 .LBB2_1-.Ltmp1, $4  }
0x47: {  	[sflag:s11] =	ssyncadd.s32 $0xFFFFC000  }
0x48: {  	[hbm4b:s14+s2] =	stream.linear.scatter [tilespmem:s9], [sflag:$0x2], $0x8000, $0x38;
	[tilespmem:$0x8200] =	vst v63  }
0x49: {  	_ =	swait.ge [sflag:s3], $0x8000  }
0x4a: {  	[sflag:s3] =	ssyncset.done $0x0  }
.LBB2_2:
0x4b: {  	[sflag:s3] =	ssyncadd.s32 $0xFFFF8000  }
0x4c: {  	_ =	sfence.sel $0x180000  }
0x4d: {  	[bflag:$0x0] =	sbarrier.arrive $0xFFFF  }
0x4e: {  	p0 =	sne.s32 s0, $0x0;
	_ =	strace $0x90000047  }
0x4f: {  	s0 =	sadd.s32 @!p0 $0x100000, s1;
	[bflag:$0x2] =	sbarrier.arrive $0xFFFF  }
0x50: {  	[sflag:s0] =	ssyncadd.tile.s32 @!p0 $0x1;
	_ =	shalt  }
.Lfunc_end2:
_tile_overlayer_lowered:
.L_overlay_start_2:
0x51: {  	(tag) =	ssettag $0x2  }
0x52: {  	s0 =	rddreg [dreg:$0x0];
	s2 =	stileid.u32  }
0x53: {  	s1 =	rddreg [dreg:$0x1];
	p0 =	sne.s32 s2, $0x0  }
0x54: {  	s3 =	rddreg [dreg:$0x2];
	[bflag:$0x3] =	sbarrier.arrive $0xFFFF;
	s2 =	simm.s32 @!p0 $0x1C02  }
0x55: {  	[timem:s3], [sflag:s2] =	dma.local @!p0 [hbm:s0], s1  }
0x56: {  	s0 =	simm.s32 @!p0 $0x2  }
0x57: {  	_ =	swait.ge @!p0 [sflag:s0], s1  }
0x58: {  	s1 =	ssub.s32 @!p0 $0x0, s1;
	[sflag:s0] =	ssyncset.done @!p0 $0x0  }
0x59: {  	[sflag:s0] =	ssyncadd.s32 @!p0 s1  }
0x5a: {  	[bflag:$0x3] =	sbarrier.arrive $0xFFFF  }
0x5b: {  	_ =	shalt  }

// kernel: kernel.9.cloned.1.call-start
scs
__scs_entry_jumppad:
0x0: {  	(pc) =	sbr.rel $0x88, $3  }
0x1: {  	(tag) =	ssettag $0x0;
	lr =	simm.s32 $0x1  }
0x2: {  	[smem:$0x3F8F] =	sst lr;
	_ =	strace $0xD0000000  }
0x3: {  	_ = 	snop  }
0x4: {  	_ = 	snop  }
0x5: {  	_ = 	snop  }
0x6: {  	_ = 	snop  }
0x7: {  	_ = 	snop  }
__scs_overlays_trampoline_lowered:
0x8: {  	[smem:$0x3F9E] =	sst s0  }
0x9: {  	[smem:$0x3F9F] =	sst s1  }
0xa: {  	[smem:$0x3FA0] =	sst s2  }
0xb: {  	[smem:$0x3FA1] =	sst s3  }
0xc: {  	[smem:$0x3FA2] =	sst s4  }
0xd: {  	[smem:$0x3FA3] =	sst s5  }
0xe: {  	[smem:$0x3FA4] =	sst s6  }
0xf: {  	[smem:$0x3FA5] =	sst s7  }
0x10: {  	[smem:$0x3FA6] =	sst s8  }
0x11: {  	[smem:$0x3FA7] =	sst s9;
	s0 =	simm.s32 @!p0 $0x0  }
0x12: {  	s1 =	sld [smem:$0x3F8D];
	s0 =	simm.s32 @p0 $0x1  }
0x13: {  	[smem:$0x3FA8] =	sst s0;
	s0 =	simm.s32 @!p1 $0x0  }
0x14: {  	s2 =	sld [smem:$0x3F8C];
	s0 =	simm.s32 @p1 $0x1  }
0x15: {  	[smem:$0x3FA9] =	sst s0;
	s0 =	simm.s32 @!p2 $0x0  }
0x16: {  	s3 =	sld [smem:$0x3FDB];
	s0 =	simm.s32 @p2 $0x1  }
0x17: {  	s4 =	simm.s32 $0x1BF5;
	[smem:$0x3FAB] =	sst s0  }
0x18: {  	s0 =	sld [smem:$0x3F8E];
	_ =	swait.ge [sflag:s4], $0x0  }
0x19: {  	s7 =	sld [smem:$0x3F8F]  }
0x1a: {  	s8 =	sadd.s32 $0xFFFFE003, lr  }
0x1b: {  	s9 =	sadd.s32 $0xFFFFFEF7, lr;
	s5 =	simm.s32 $0xFFFFFFFF;
	p2 =	slt.u32 s8, $0xFFFFF086  }
0x1c: {  	p1 =	slt.u32 s9, $0xF7A;
	s5 =	simm.s32 @!p2 $0x0  }
0x1d: {  	s5 =	simm.s32 @p1 $0x1;
	p0 =	seq.s32 s7, s2  }
0x1e: {  	s7 =	smul.u32 @!p0 $0xF7A, s2;
	p2 =	seq.s32 @!p0 s5, $0x0  }
0x1f: {  	s9 =	smul.u32 $0xF7A, s1;
	s8 =	simm.s32 @!p0 $0x1BF5;
	p2 =	por !p2, p0  }
0x20: {  	[sflag:s8] =	ssyncset.s32 @!p0 $0xFFFFF086;
	s6 =	sadd.s32 @!p0 s3, s7;
	s7 =	simm.s32 @!p0 $0x108  }
0x21: {  	s3 =	sadd.s32 s3, s9;
	s6 =	sadd.s32 @!p0 $0x88, s6;
	s7 =	simm.s32 @p2 $0x1082  }
0x22: {  	[simem:s7], [sflag:s8] =	dma.local @!p0 [hbm:s6], $0xF7A  }
0x23: {  	s9 =	sor.u32 $0xD0000000, s2;
	s6 =	simm.s32 $0x108;
	_ =	swait.ge @!p0 [sflag:s8], $0x0  }
0x24: {  	s3 =	sadd.s32 $0x88, s3;
	s6 =	simm.s32 @!p1 $0x1082;
	[sflag:s4] =	ssyncset.s32 $0xFFFFF086  }
0x25: {  	[simem:s6], [sflag:s4] =	dma.local [hbm:s3], $0xF7A  }
0x26: {  	[smem:$0x3F8F] =	sst s1;
	(tag) =	ssettag s2;
	_ =	strace s9  }
0x27: {  	s1 =	sld [smem:$0x3F9F]  }
0x28: {  	s2 =	sld [smem:$0x3FA0]  }
0x29: {  	s4 =	sld [smem:$0x3FA2]  }
0x2a: {  	p0 =	seq.s32 s5, $0x0;
	s5 =	sld [smem:$0x3FA3]  }
0x2b: {  	s6 =	sld [smem:$0x3FA4]  }
0x2c: {  	s7 =	sld [smem:$0x3FA5]  }
0x2d: {  	s3 =	simm.s32 $0x108;
	s8 =	sld [smem:$0x3FA6]  }
0x2e: {  	s3 =	simm.s32 @!p0 $0x1082;
	s9 =	sld [smem:$0x3FA7]  }
0x2f: {  	lr =	sadd.s32 s0, s3;
	s0 =	sld [smem:$0x3F9E]  }
0x30: {  	s3 =	sld [smem:$0x3FA1]  }
0x31: {  	[smem:$0x3FAA] =	sst s10  }
0x32: {  	s10 =	sld [smem:$0x3FA8];
	_ =	sdelay $0x3  }
0x33: {  	p0 =	seq.s32 s10, $0x1;
	s10 =	sld [smem:$0x3FAA];
	_ =	sdelay $0x3  }
0x34: {  	[smem:$0x3FAA] =	sst s10  }
0x35: {  	s10 =	sld [smem:$0x3FA9];
	_ =	sdelay $0x3  }
0x36: {  	p1 =	seq.s32 s10, $0x1;
	s10 =	sld [smem:$0x3FAA];
	_ =	sdelay $0x3  }
0x37: {  	[smem:$0x3FAA] =	sst s10  }
0x38: {  	s10 =	sld [smem:$0x3FAB]  }
0x39: {  	_ = 	snop;
	(pc) =	sbr.ind lr, $3  }
0x3a: {  	_ = 	snop  }
0x3b: {  	_ = 	snop  }
0x3c: {  	p2 =	seq.s32 s10, $0x1;
	s10 =	sld [smem:$0x3FAA]  }
0x3d: {  	_ =	shalt  }
0x3e: {  	_ =	shalt  }
0x3f: {  	_ =	shalt  }
0x40: {  	_ =	shalt  }
0x41: {  	_ =	shalt  }
0x42: {  	_ =	shalt  }
0x43: {  	_ =	shalt  }
0x44: {  	_ =	shalt  }
0x45: {  	_ =	shalt  }
0x46: {  	_ =	shalt  }
0x47: {  	_ =	shalt  }
0x48: {  	_ =	shalt  }
0x49: {  	_ =	shalt  }
0x4a: {  	_ =	shalt  }
0x4b: {  	_ =	shalt  }
0x4c: {  	_ =	shalt  }
0x4d: {  	_ =	shalt  }
0x4e: {  	_ =	shalt  }
0x4f: {  	_ =	shalt  }
0x50: {  	_ =	shalt  }
0x51: {  	_ =	shalt  }
0x52: {  	_ =	shalt  }
0x53: {  	_ =	shalt  }
0x54: {  	_ =	shalt  }
0x55: {  	_ =	shalt  }
0x56: {  	_ =	shalt  }
0x57: {  	_ =	shalt  }
0x58: {  	_ =	shalt  }
0x59: {  	_ =	shalt  }
0x5a: {  	_ =	shalt  }
0x5b: {  	_ =	shalt  }
0x5c: {  	_ =	shalt  }
0x5d: {  	_ =	shalt  }
0x5e: {  	_ =	shalt  }
0x5f: {  	_ =	shalt  }
0x60: {  	_ =	shalt  }
0x61: {  	_ =	shalt  }
0x62: {  	_ =	shalt  }
0x63: {  	_ =	shalt  }
0x64: {  	_ =	shalt  }
0x65: {  	_ =	shalt  }
0x66: {  	_ =	shalt  }
0x67: {  	_ =	shalt  }
0x68: {  	_ =	shalt  }
0x69: {  	_ =	shalt  }
0x6a: {  	_ =	shalt  }
0x6b: {  	_ =	shalt  }
0x6c: {  	_ =	shalt  }
0x6d: {  	_ =	shalt  }
0x6e: {  	_ =	shalt  }
0x6f: {  	_ =	shalt  }
0x70: {  	_ =	shalt  }
0x71: {  	_ =	shalt  }
0x72: {  	_ =	shalt  }
0x73: {  	_ =	shalt  }
0x74: {  	_ =	shalt  }
0x75: {  	_ =	shalt  }
0x76: {  	_ =	shalt  }
0x77: {  	_ =	shalt  }
0x78: {  	_ =	shalt  }
0x79: {  	_ =	shalt  }
0x7a: {  	_ =	shalt  }
0x7b: {  	_ =	shalt  }
0x7c: {  	_ =	shalt  }
0x7d: {  	_ =	shalt  }
0x7e: {  	_ =	shalt  }
0x7f: {  	_ =	shalt  }
0x80: {  	_ =	shalt  }
0x81: {  	_ =	shalt  }
0x82: {  	_ =	shalt  }
0x83: {  	_ =	shalt  }
0x84: {  	_ =	shalt  }
0x85: {  	_ =	shalt  }
0x86: {  	_ =	shalt  }
0x87: {  	_ =	shalt  }
.Lfunc_end0:
.L_simem_size_0:
called_computation.1_lowered:
.L_overlay_start_0:
0x88: {  	s2 =	sld [smem:$0x3FD9]  }
0x89: {  	s3 =	sld [smem:$0x3FFE];
	_ =	sdelay $0x1  }
0x8a: {  	s1 =	srdreg.scid  }
0x8b: {  	s0 =	sand.u32 $0x1, s1  }
0x8c: {  	s17 =	sshll.u32 s0, $0xA;
	s2 =	sadd.s32 s3, s2  }
0x8d: {  	s2 =	sadd.s32 s2, s17  }
0x8e: {  	[smem:$0x3FB6] =	sst s2  }
0x8f: {  	_ = 	snop  }
0x90: {  	(tm) =	ssettm $0x1  }
0x91: {  	s18 =	sld [smem:$0x3FFB];
	_ =	sdelay $0x3  }
0x92: {  	_ =	strace s18  }
0x93: {  	s2 =	sld [smem:$0x3FFC];
	_ =	sdelay $0x3  }
0x94: {  	_ =	strace s2  }
0x95: {  	s2 =	sld [smem:$0x3FFD];
	_ =	sdelay $0x3  }
0x96: {  	_ =	strace s2  }
0x97: {  	_ =	strace $0x8FFFFFFF  }
0x98: {  	s19 =	sld [smem:$0x3FDB];
	_ =	sdelay $0x1  }
0x99: {  	s20 =	simm.s32 $_scs_section_size  }
0x9a: {  	s4 =	simm.s32 $_size__tile_overlayer_lowered;
	s5 =	simm.s32 $_tile_overlayer_lowered  }
0x9b: {  	s6 =	simm.s32 $0x1BFF;
	s21 =	sshll.u32 s5, $0x1;
	s3 =	sadd.s32 s20, s19  }
0x9c: {  	s22 =	simm.s32 $0x0;
	s4 =	sshll.u32 s4, $0x1;
	s5 =	sadd.s32 s21, s3  }
0x9d: {  	[timem:s22], [sflag:s6] =	dma.local [hbm:s5], s4  }
0x9e: {  	_ =	swait.ge [sflag:s6], s4  }
0x9f: {  	s4 =	ssub.s32 $0x0, s4;
	[sflag:s6] =	ssyncset.done $0x0  }
0xa0: {  	[sflag:s6] =	ssyncadd.s32 s4;
	_ =	sdelay $0x1  }
0xa1: {  	s23 =	simm.s32 $0x1B8B  }
0xa2: {  	_ =	swait.ge [sflag:s23], $0x1  }
0xa3: {  	[sflag:s23] =	ssyncset.done $0x0  }
0xa4: {  	[sflag:s23] =	ssyncadd.s32 $0xFFFFFFFF  }
0xa5: {  	s4 =	sld [smem:$0x0]  }
0xa6: {  	s5 =	sand.u32 $0xFFFFFFFE, s1  }
0xa7: {  	p0 =	sne.s32 s1, s5  }
0xa8: {  	s5 =	sshll.u32 @p0 s5, $0xE  }
0xa9: {  	s5 =	sadd.s32 @p0 $0x11B8D, s5;
	s6 =	sshll.u32 @p0 s4, $0x11  }
0xaa: {  	s5 =	sor.u32 @p0 s6, s5  }
0xab: {  	[sflag:s5] =	ssyncadd.remote.s32 @p0 $0x1;
	_ =	sdelay $0x1  }
0xac: {  	s5 =	simm.s32 @p0 $0x1B8D  }
0xad: {  	_ =	swait.eq @p0 [sflag:s5], $0x1  }
0xae: {  	[sflag:s5] =	ssyncadd.s32 @p0 $0xFFFFFFFF  }
0xaf: {  	s6 =	sshll.u32 @!p0 s1, $0xE  }
0xb0: {  	s6 =	sor.u32 @!p0 $0x4000, s6;
	s5 =	simm.s32 @!p0 $0x1B8D  }
0xb1: {  	s4 =	sshll.u32 @!p0 s4, $0x11;
	s6 =	sadd.s32 @!p0 $0x11B8D, s6;
	_ =	swait.eq @!p0 [sflag:s5], $0x1  }
0xb2: {  	s4 =	sor.u32 @!p0 s4, s6;
	[sflag:s5] =	ssyncadd.s32 @!p0 $0xFFFFFFFF  }
0xb3: {  	s25 =	simm.s32 $0x1B8E;
	s24 =	sld [smem:$0x3FFE];
	[sflag:s4] =	ssyncadd.remote.s32 @!p0 $0x1  }
0xb4: {  	s26 =	simm.s32 $execute0_lowered;
	[smem:$0x3FD2] =	sst s25  }
0xb5: {  	s5 =	sshll.u32 s26, $0x1;
	_ =	strace $0x80000049;
	[dreg:$0x1] =	wrdreg $0xFFFFFFFF  }
0xb6: {  	s28 =	simm.s32 $_size_execute0_lowered;
	s3 =	sadd.s32 s3, s5;
	[dreg:$0x0] =	wrdreg $0x0  }
0xb7: {  	s5 =	sshll.u32 s28, $0x1;
	[dreg:$0x2] =	wrdreg s3  }
0xb8: {  	[dreg:$0x3] =	wrdreg s5  }
0xb9: {  	[dreg:$0x4] =	wrdreg $0xC0  }
0xba: {  	_ =	task [dreg:s22], $0x5FFFF  }
0xbb: {  	[dreg:$0x1] =	wrdreg $0xFFFFFFFF  }
0xbc: {  	[dreg:$0x0] =	wrdreg $0x60  }
0xbd: {  	[dreg:$0x2] =	wrdreg s24  }
0xbe: {  	[dreg:$0x3] =	wrdreg $0xA  }
0xbf: {  	_ =	task.clear_ibuf [dreg:s22], $0x4FFFF;
	_ =	strace $0x90000049  }
0xc0: {  	s29 =	simm.s32 $0xA;
	_ =	strace $0x8000004B  }
0xc1: {  	_ =	swait.ge [sflag:s29], $0x1  }
0xc2: {  	[sflag:s29] =	ssyncadd.s32 $0xFFFFFFFF  }
0xc3: {  	_ =	strace $0x9000004B  }
0xc4: {  	_ =	sfence  }
0xc5: {  	s30 =	sld [smem:$0x0];
	_ =	sdelay $0x2  }
0xc6: {  	s31 =	sshll.u32 s1, $0xD;
	s1 =	sshrl.u32 s1, $0x2  }
0xc7: {  	s4 =	sand.u32 $0x4000, s31;
	s1 =	sadd.s32 s1, s30  }
0xc8: {  	s0 =	sor.u32 s4, s0;
	s1 =	sshll.u32 s1, $0x11  }
0xc9: {  	s0 =	sor.u32 s1, s0  }
0xca: {  	s0 =	sadd.s32 $0x8F2B, s0  }
0xcb: {  	[sflag:s0] =	ssyncadd.remote.s32 $0x1  }
0xcc: {  	_ =	sfence.sel $0xFFFF  }
0xcd: {  	[dreg:$0x0] =	wrdreg $0xFFFFFFFF;
	(pc) =	sbr.abs _section_cstart, $3  }
0xce: {  	[dreg:$0x1] =	wrdreg $0xFFFFFFFF  }
0xcf: {  	_ =	task.clear_ibuf [dreg:s22], $0x2FFFF;
	_ =	strace $0x9FFFFFFF  }
0xd0: {  	(tm) =	ssettm $0x7FFFFFFF  }
0xd1: {  	_ =	shalt  }
tec
execute0_lowered:
.L_overlay_start_1:
0x0: {  	(tag) =	ssettag $0x1  }
0x1: {  	s1 =	srdreg.scid  }
0x2: {  	s0 =	stileid.u32;
	s14 =	sand.u32 $0x1, s1  }
0x3: {  	s30 =	sshll.u32 s0, $0x9;
	s2 =	sshll.u32 s14, $0x8  }
0x4: {  	s12 =	rddreg [dreg:$0x0];
	s13 =	sor.u32 s2, s30  }
0x5: {  	s1 =	rddreg [dreg:$0x1];
	s2 =	simm.s32 $0x0;
	s3 =	sshrl.u32 s13, $0x3  }
0x6: {  	[smem:$0x7FF] =	sst s2;
	s5 =	sadd.s32 s3, s12  }
0x7: {  	_ =	strace $0x8000004A;
	s3 =	simm.s32 $0x2;
	s4 =	sadd.s32 $0x313400, s5  }
0x8: {  	[tilespmem:s2], [sflag:$0x2] =	stream.linear.gather [hbm4b:s4+s2], $0x100, $0x38;
	[tilespmem:$0x8200] =	vst v63  }
0x9: {  	_ =	swait.ge [sflag:s3], $0x100  }
0xa: {  	[sflag:s3] =	ssyncset.done $0x0  }
0xb: {  	s6 =	simm.s32 $0x100;
	s5 =	sadd.s32 $0x313000, s5;
	[sflag:s3] =	ssyncadd.s32 $0xFFFFFF00  }
0xc: {  	[tilespmem:s6], [sflag:$0x2] =	stream.linear.gather [hbm4b:s5+s2], $0x100, $0x38;
	[tilespmem:$0x8200] =	vst v63  }
0xd: {  	_ =	swait.ge [sflag:s3], $0x100  }
0xe: {  	s8 =	simm.s32 $0x80;
	[sflag:s3] =	ssyncset.done $0x0  }
0xf: {  	s9 =	simm.s32 $0x200;
	s7 =	sadd.s32 $0x313800, s12;
	[sflag:s3] =	ssyncadd.s32 $0xFFFFFF00  }
0x10: {  	[tilespmem:s9], [sflag:$0x1] =	stream.indirect.gather [hbm4b:s7+s8], $0x80, s2, s8, $0xb8;
	[tilespmem:$0x8200] =	vst v63  }
0x11: {  	s10 =	simm.s32 $0x4200;
	s11 =	simm.s32 $0x1  }
0x12: {  	[tilespmem:s10], [sflag:$0x1] =	stream.indirect.gather [hbm4b:s7+s8], $0x80, s8, s8, $0xb8;
	[tilespmem:$0x8200] =	vst v63  }
0x13: {  	_ =	swait.ge [sflag:s11], $0x4000  }
0x14: {  	[sflag:s11] =	ssyncset.done $0x0  }
0x15: {  	[sflag:s11] =	ssyncadd.s32 $0xFFFFC000  }
0x16: {  	s13 =	sshll.u32 s13, $0x4;
	_ =	swait.ge [sflag:s11], $0x4000  }
0x17: {  	s15 =	sadd.s32 s13, s12;
	[sflag:s11] =	ssyncset.done $0x0  }
0x18: {  	s12 =	sadd.s32 $0x45400, s15;
	[sflag:s11] =	ssyncadd.s32 $0xFFFFC000  }
0x19: {  	[hbm4b:s12+s2] =	stream.linear.scatter [tilespmem:s9], [sflag:$0x2], $0x8000, $0x38;
	[tilespmem:$0x8200] =	vst v63  }
0x1a: {  	_ =	swait.ge [sflag:s3], $0x8000  }
0x1b: {  	[sflag:s3] =	ssyncset.done $0x0  }
0x1c: {  	[sflag:s3] =	ssyncadd.s32 $0xFFFF8000  }
0x1d: {  	[tilespmem:s9], [sflag:$0x1] =	stream.indirect.gather [hbm4b:s7+s8], $0x80, s6, s8, $0xb8;
	[tilespmem:$0x8200] =	vst v63  }
0x1e: {  	s14 =	ssub.s32 $0x2, s14;
	s13 =	simm.s32 $0x180  }
0x1f: {  	[tilespmem:s10], [sflag:$0x1] =	stream.indirect.gather [hbm4b:s7+s8], $0x80, s13, s8, $0xb8;
	[tilespmem:$0x8200] =	vst v63  }
0x20: {  	s16 =	sshrl.u32 s14, $0x1;
	_ =	swait.ge [sflag:s11], $0x4000  }
0x21: {  	s16 =	ssub.s32 s14, s16;
	[sflag:s11] =	ssyncset.done $0x0  }
0x22: {  	s31 =	smax.u32 s16, $0x1;
	[sflag:s11] =	ssyncadd.s32 $0xFFFFC000  }
0x23: {  	p0 =	sne.s32 s31, $0x1;
	_ =	swait.ge [sflag:s11], $0x4000  }
.Ltmp0:
0x24: {  	[sflag:s11] =	ssyncset.done $0x0;
	(pc) =	sbr.rel @!p0 .LBB2_2-.Ltmp0, $4  }
0x25: {  	s14 =	sadd.s32 $0x65400, s15;
	[sflag:s11] =	ssyncadd.s32 $0xFFFFC000  }
0x26: {  	[hbm4b:s14+s2] =	stream.linear.scatter [tilespmem:s9], [sflag:$0x2], $0x8000, $0x38;
	[tilespmem:$0x8200] =	vst v63  }
0x27: {  	_ =	swait.ge [sflag:s3], $0x8000  }
0x28: {  	s15 =	sadd.s32 $0xFFFFFFFF, s31;
	[sflag:s3] =	ssyncset.done $0x0  }
.LBB2_1:
0x29: {  	p0 =	sne.s32 s15, $0x1;
	s15 =	sadd.s32 $0xFFFFFFFF, s15;
	[sflag:s3] =	ssyncadd.s32 $0xFFFF8000  }
0x2a: {  	[tilespmem:s2], [sflag:$0x2] =	stream.linear.gather [hbm4b:s4+s2], $0x100, $0x38;
	[tilespmem:$0x8200] =	vst v63  }
0x2b: {  	_ =	swait.ge [sflag:s3], $0x100  }
0x2c: {  	[sflag:s3] =	ssyncset.done $0x0  }
0x2d: {  	[sflag:s3] =	ssyncadd.s32 $0xFFFFFF00  }
0x2e: {  	[tilespmem:s6], [sflag:$0x2] =	stream.linear.gather [hbm4b:s5+s2], $0x100, $0x38;
	[tilespmem:$0x8200] =	vst v63  }
0x2f: {  	_ =	swait.ge [sflag:s3], $0x100  }
0x30: {  	[sflag:s3] =	ssyncset.done $0x0  }
0x31: {  	[sflag:s3] =	ssyncadd.s32 $0xFFFFFF00  }
0x32: {  	[tilespmem:s9], [sflag:$0x1] =	stream.indirect.gather [hbm4b:s7+s8], $0x80, s2, s8, $0xb8;
	[tilespmem:$0x8200] =	vst v63  }
0x33: {  	_ = 	snop  }
0x34: {  	[tilespmem:s10], [sflag:$0x1] =	stream.indirect.gather [hbm4b:s7+s8], $0x80, s8, s8, $0xb8;
	[tilespmem:$0x8200] =	vst v63  }
0x35: {  	_ =	swait.ge [sflag:s11], $0x4000  }
0x36: {  	[sflag:s11] =	ssyncset.done $0x0  }
0x37: {  	[sflag:s11] =	ssyncadd.s32 $0xFFFFC000  }
0x38: {  	_ =	swait.ge [sflag:s11], $0x4000  }
0x39: {  	[sflag:s11] =	ssyncset.done $0x0  }
0x3a: {  	[sflag:s11] =	ssyncadd.s32 $0xFFFFC000  }
0x3b: {  	[hbm4b:s12+s2] =	stream.linear.scatter [tilespmem:s9], [sflag:$0x2], $0x8000, $0x38;
	[tilespmem:$0x8200] =	vst v63  }
0x3c: {  	_ =	swait.ge [sflag:s3], $0x8000  }
0x3d: {  	[sflag:s3] =	ssyncset.done $0x0  }
0x3e: {  	[sflag:s3] =	ssyncadd.s32 $0xFFFF8000  }
0x3f: {  	[tilespmem:s9], [sflag:$0x1] =	stream.indirect.gather [hbm4b:s7+s8], $0x80, s6, s8, $0xb8;
	[tilespmem:$0x8200] =	vst v63  }
0x40: {  	_ = 	snop  }
0x41: {  	[tilespmem:s10], [sflag:$0x1] =	stream.indirect.gather [hbm4b:s7+s8], $0x80, s13, s8, $0xb8;
	[tilespmem:$0x8200] =	vst v63  }
0x42: {  	_ =	swait.ge [sflag:s11], $0x4000  }
0x43: {  	[sflag:s11] =	ssyncset.done $0x0  }
0x44: {  	[sflag:s11] =	ssyncadd.s32 $0xFFFFC000  }
0x45: {  	_ =	swait.ge [sflag:s11], $0x4000  }
.Ltmp1:
0x46: {  	[sflag:s11] =	ssyncset.done $0x0;
	(pc) =	sbr.rel @p0 .LBB2_1-.Ltmp1, $4  }
0x47: {  	[sflag:s11] =	ssyncadd.s32 $0xFFFFC000  }
0x48: {  	[hbm4b:s14+s2] =	stream.linear.scatter [tilespmem:s9], [sflag:$0x2], $0x8000, $0x38;
	[tilespmem:$0x8200] =	vst v63  }
0x49: {  	_ =	swait.ge [sflag:s3], $0x8000  }
0x4a: {  	[sflag:s3] =	ssyncset.done $0x0  }
.LBB2_2:
0x4b: {  	[sflag:s3] =	ssyncadd.s32 $0xFFFF8000  }
0x4c: {  	_ =	sfence.sel $0x180000  }
0x4d: {  	[bflag:$0x0] =	sbarrier.arrive $0xFFFF  }
0x4e: {  	p0 =	sne.s32 s0, $0x0;
	_ =	strace $0x9000004A  }
0x4f: {  	s0 =	sadd.s32 @!p0 $0x100000, s1;
	[bflag:$0x2] =	sbarrier.arrive $0xFFFF  }
0x50: {  	[sflag:s0] =	ssyncadd.tile.s32 @!p0 $0x1;
	_ =	shalt  }
.Lfunc_end2:
_tile_overlayer_lowered:
.L_overlay_start_2:
0x51: {  	(tag) =	ssettag $0x2  }
0x52: {  	s0 =	rddreg [dreg:$0x0];
	s2 =	stileid.u32  }
0x53: {  	s1 =	rddreg [dreg:$0x1];
	p0 =	sne.s32 s2, $0x0  }
0x54: {  	s3 =	rddreg [dreg:$0x2];
	[bflag:$0x3] =	sbarrier.arrive $0xFFFF;
	s2 =	simm.s32 @!p0 $0x1C02  }
0x55: {  	[timem:s3], [sflag:s2] =	dma.local @!p0 [hbm:s0], s1  }
0x56: {  	s0 =	simm.s32 @!p0 $0x2  }
0x57: {  	_ =	swait.ge @!p0 [sflag:s0], s1  }
0x58: {  	s1 =	ssub.s32 @!p0 $0x0, s1;
	[sflag:s0] =	ssyncset.done @!p0 $0x0  }
0x59: {  	[sflag:s0] =	ssyncadd.s32 @!p0 s1  }
0x5a: {  	[bflag:$0x3] =	sbarrier.arrive $0xFFFF  }
0x5b: {  	_ =	shalt  }

</sc_bundles>
